<compile_context>
chip_gen: v7x
topology: tpu7x:2x2x1
jax: 0.10.2.dev20260603
libtpu: 0.0.44.dev20260713+nightly
codegen_flags: <defaults>
</compile_context>

<pallas_src>
import dataclasses
import functools

import jax
import jax.numpy as jnp
from jax import lax
from jax.experimental import pallas as pl
from jax.experimental.pallas import tpu as pltpu
from jax.experimental.pallas import tpu_sc as plsc

B = 16384
NUM_NUMERICAL = 410
H1 = 10
H2 = 12
OUT = 9
N_MOVE, D_MOVE, V_MOVE = 4, 16, 355
N_ABIL, D_ABIL, V_ABIL = 7, 8, 78
N_SLOTS = N_MOVE + N_ABIL
TP_ROWS = N_MOVE * V_MOVE + N_ABIL * V_ABIL
EMB_PAD = 128

_NC, _NS, _L = 2, 16, 16
_NW = _NC * _NS
_BPW = B // _NW
_NGRP = _BPW // _L


def _proj_body(mt_ref, at_ref, w1_ref, tp_ref):
    mt = mt_ref[...]
    at = at_ref[...]
    dn = (((0,), (1,)), ((), ()))
    parts = []
    for j in range(N_MOVE):
        off = NUM_NUMERICAL + D_MOVE * j
        parts.append(lax.dot_general(w1_ref[off:off + D_MOVE, :], mt, dn,
                                     preferred_element_type=jnp.float32))
    for j in range(N_ABIL):
        off = NUM_NUMERICAL + N_MOVE * D_MOVE + D_ABIL * j
        parts.append(lax.dot_general(w1_ref[off:off + D_ABIL, :], at, dn,
                                     preferred_element_type=jnp.float32))
    tp_ref[...] = jnp.concatenate(parts, axis=1)


def _project_tables(move_table, ability_table, W1):
    return pl.pallas_call(
        _proj_body,
        out_shape=jax.ShapeDtypeStruct((H1, TP_ROWS), jnp.float32),
    )(move_table, ability_table, W1)


def _sc_gather_body(tp_hbm, idx_hbm, out_hbm,
                    tp_v, idx_v, out_v, sem, sem2):
    core = lax.axis_index("c")
    sub = lax.axis_index("s")
    wid = sub * _NC + core
    c1 = pltpu.async_copy(tp_hbm, tp_v, sem)
    c2 = pltpu.async_copy(idx_hbm.at[wid], idx_v, sem2)
    c1.wait()
    c2.wait()

    lane = lax.iota(jnp.int32, _L)
    col_ids = [jnp.full((_L,), c, jnp.int32) for c in range(H1)]

    @plsc.parallel_loop(0, _NGRP)
    def _(g):
        rows = g * _L + lane
        pos = rows * N_SLOTS
        sidx = [plsc.load_gather(idx_v, [pos + j]) for j in range(N_SLOTS)]
        for c in range(H1):
            acc = plsc.load_gather(tp_v, [col_ids[c], sidx[0]])
            for j in range(1, N_SLOTS):
                acc = acc + plsc.load_gather(tp_v, [col_ids[c], sidx[j]])
            plsc.store_scatter(out_v, [rows, col_ids[c]], acc)

    pltpu.async_copy(out_v, out_hbm.at[pl.ds(wid * _BPW, _BPW), :],
                     sem).wait()


def _sc_gather(tp_t, idx2):
    mesh = plsc.VectorSubcoreMesh(core_axis_name="c", subcore_axis_name="s",
                                  num_cores=_NC, num_subcores=_NS)
    cp = pltpu.CompilerParams()
    fields = pltpu.CompilerParams.__dataclass_fields__
    if "needs_layout_passes" in fields:
        cp = dataclasses.replace(cp, needs_layout_passes=False)
    if "use_tc_tiling_on_sc" in fields:
        cp = dataclasses.replace(cp, use_tc_tiling_on_sc=False)
    k = pl.kernel(
        _sc_gather_body,
        out_type=jax.ShapeDtypeStruct((B, EMB_PAD), jnp.float32),
        mesh=mesh,
        compiler_params=cp,
        scratch_types=[
            pltpu.VMEM((H1, TP_ROWS), jnp.float32),
            pltpu.VMEM((_BPW * N_SLOTS,), jnp.int32),
            pltpu.VMEM((_BPW, EMB_PAD), jnp.float32),
            pltpu.SemaphoreType.DMA,
            pltpu.SemaphoreType.DMA,
        ],
    )
    return k(tp_t, idx2)


_BLK = 4096


def _mega_body(x_ref, e_ref, w1_ref, b1_ref, w2_ref, b2_ref, w3_ref, b3_ref,
               o_ref):
    p = jnp.dot(x_ref[...], w1_ref[...], preferred_element_type=jnp.float32)
    h1 = jnp.maximum(p + e_ref[...][:, :H1] + b1_ref[...], 0.0)
    h2 = jnp.dot(h1, w2_ref[...], preferred_element_type=jnp.float32)
    h2 = jnp.maximum(h2 + b2_ref[...], 0.0)
    o_ref[...] = jnp.dot(h2, w3_ref[...],
                         preferred_element_type=jnp.float32) + b3_ref[...]


def _mega(x, emb, W1n, b1, W2, b2, W3, b3):
    return pl.pallas_call(
        _mega_body,
        grid=(B // _BLK,),
        in_specs=[
            pl.BlockSpec((_BLK, NUM_NUMERICAL), lambda i: (i, 0)),
            pl.BlockSpec((_BLK, EMB_PAD), lambda i: (i, 0)),
            pl.BlockSpec((NUM_NUMERICAL, H1), lambda i: (0, 0)),
            pl.BlockSpec((1, H1), lambda i: (0, 0)),
            pl.BlockSpec((H1, H2), lambda i: (0, 0)),
            pl.BlockSpec((1, H2), lambda i: (0, 0)),
            pl.BlockSpec((H2, OUT), lambda i: (0, 0)),
            pl.BlockSpec((1, OUT), lambda i: (0, 0)),
        ],
        out_specs=pl.BlockSpec((_BLK, OUT), lambda i: (i, 0)),
        out_shape=jax.ShapeDtypeStruct((B, OUT), jnp.float32),
    )(x, emb, W1n, b1.reshape(1, H1), W2, b2.reshape(1, H2), W3,
      b3.reshape(1, OUT))


def kernel(x_numerical_tensor, move_effect_tensor, ability_tensor,
           move_table, ability_table, W1, b1, W2, b2, W3, b3):
    move_off = jnp.arange(N_MOVE, dtype=jnp.int32) * V_MOVE
    abil_off = (N_MOVE * V_MOVE
                + jnp.arange(N_ABIL, dtype=jnp.int32) * V_ABIL)
    flat = jnp.concatenate([
        move_effect_tensor.astype(jnp.int32) + move_off[None, :],
        ability_tensor.astype(jnp.int32) + abil_off[None, :],
    ], axis=1)
    idx2 = flat.reshape(_NW, _BPW * N_SLOTS)

    tp_t = _project_tables(move_table, ability_table, W1)
    emb = _sc_gather(tp_t, idx2)
    return _mega(x_numerical_tensor, emb, W1[:NUM_NUMERICAL, :],
                 b1, W2, b2, W3, b3)

# --- scband reference (transcript-rebuilt; emitter-appended) ---
"""Pipeline reference for scband-network-38792144618157 (READ-ONLY COPY).

The authoritative reference and input builder live on the scoring server;
editing this copy changes nothing except your own understanding.
"""

import jax, jax.numpy as jnp
import numpy as np

B = 16384
NUM_NUMERICAL = 410
INPUT_SIZE = 530
H1 = 10
H2 = 12
OUT = 9

def setup_inputs(seed: int = 0) -> dict:
    key = jax.random.key(seed)
    ks = jax.random.split(key, 12)
    x_numerical = jax.random.normal(ks[0], (B, NUM_NUMERICAL), dtype=jnp.float32)
    move_effect = jax.random.randint(ks[1], (B, 4), 0, 355, dtype=jnp.int64 if jax.config.jax_enable_x64 else jnp.int32)
    ability = jax.random.randint(ks[2], (B, 7), 0, 78, dtype=jnp.int64 if jax.config.jax_enable_x64 else jnp.int32)
    move_table = jax.random.normal(ks[3], (355, 16), dtype=jnp.float32)
    ability_table = jax.random.normal(ks[4], (78, 8), dtype=jnp.float32)
    W1 = jax.random.normal(ks[5], (INPUT_SIZE, H1), dtype=jnp.float32) * (1.0 / np.sqrt(INPUT_SIZE))
    b1 = jnp.zeros((H1,), dtype=jnp.float32)
    W2 = jax.random.normal(ks[6], (H1, H2), dtype=jnp.float32) * (1.0 / np.sqrt(H1))
    b2 = jnp.zeros((H2,), dtype=jnp.float32)
    W3 = jax.random.normal(ks[7], (H2, OUT), dtype=jnp.float32) * (1.0 / np.sqrt(H2))
    b3 = jnp.zeros((OUT,), dtype=jnp.float32)
    return {
        'x_numerical_tensor': x_numerical,
        'move_effect_tensor': move_effect,
        'ability_tensor': ability,
        'move_table': move_table,
        'ability_table': ability_table,
        'W1': W1, 'b1': b1, 'W2': W2, 'b2': b2, 'W3': W3, 'b3': b3,
    }

def reference(x_numerical_tensor, move_effect_tensor, ability_tensor, move_table, ability_table, W1, b1, W2, b2, W3, b3):
    x_move = jnp.take(move_table, move_effect_tensor, axis=0)      # [B, 4, 16]
    x_abil = jnp.take(ability_table, ability_tensor, axis=0)       # [B, 7, 8]
    x = jnp.concatenate([
        x_numerical_tensor,
        x_move.reshape(x_move.shape[0], -1),
        x_abil.reshape(x_abil.shape[0], -1),
    ], axis=1)                                                      # [B, 530]
    x = jax.nn.relu(x @ W1 + b1)
    x = jax.nn.relu(x @ W2 + b2)
    x = x @ W3 + b3
    return x

if __name__ == "__main__":
    import jax
    _d = setup_inputs()
    print(jax.jit(kernel)(*tuple(_d.values())))

</pallas_src>

<mosaic_0001>
#map = affine_map<(d0, d1) -> (0, 0)>
module attributes {stable_mosaic.version = 14 : i64} {
  func.func @_sc_gather_body(%arg0: i32, %arg1: i32, %arg2: memref<10x1966xf32, #tpu.memory_space<hbm>>, %arg3: memref<32x5632xi32, #tpu.memory_space<hbm>>, %arg4: memref<16384x128xf32, #tpu.memory_space<hbm>>, %arg5: memref<10x1966xf32, #tpu.memory_space<vmem>>, %arg6: memref<5632xi32, #tpu.memory_space<vmem>>, %arg7: memref<512x128xf32, #tpu.memory_space<vmem>>, %arg8: memref<!tpu.dma_semaphore, #tpu.memory_space<semaphore_mem>>, %arg9: memref<!tpu.dma_semaphore, #tpu.memory_space<semaphore_mem>>) attributes {dimension_semantics = [#tpu.dimension_semantics<core_parallel>, #tpu.dimension_semantics<subcore_parallel>], iteration_bounds = array<i64: 2, 16>, scalar_prefetch = 0 : i64, scratch_operands = 5 : i64, tpu.core_type = #tpu.core_type<sc_vector_subcore>, window_params = [{transform_indices = #map}, {transform_indices = #map}, {transform_indices = #map}]} {
    %mul3A = arith.constant 2 : i32
    %mul3A_0 = arith.muli %arg1, %mul3A : i32
    %add3A = arith.addi %mul3A_0, %arg0 : i32
    tpu.enqueue_dma source(%arg2 : memref<10x1966xf32, #tpu.memory_space<hbm>>) target(%arg5 : memref<10x1966xf32, #tpu.memory_space<vmem>>) target_semaphore(%arg8 : memref<!tpu.dma_semaphore, #tpu.memory_space<semaphore_mem>>)
    %dma_start3A = arith.constant 0 : i32
    %dma_start3A_1 = tpu.memref_slice %arg3[%add3A, %dma_start3A] : memref<32x5632xi32, #tpu.memory_space<hbm>> -> memref<1x5632xi32, #tpu.memory_space<hbm>>
    %dma_start3A_2 = tpu.memref_squeeze %dma_start3A_1 : memref<1x5632xi32, #tpu.memory_space<hbm>> -> memref<5632xi32, #tpu.memory_space<hbm>>
    %dma_start3A_3 = arith.constant 0 : i32
    %dma_start3A_4 = tpu.memref_slice %arg3[%add3A, %dma_start3A_3] : memref<32x5632xi32, #tpu.memory_space<hbm>> -> memref<1x5632xi32, #tpu.memory_space<hbm>>
    %dma_start3A_5 = tpu.memref_squeeze %dma_start3A_4 : memref<1x5632xi32, #tpu.memory_space<hbm>> -> memref<5632xi32, #tpu.memory_space<hbm>>
    tpu.enqueue_dma source(%dma_start3A_5 : memref<5632xi32, #tpu.memory_space<hbm>>) target(%arg6 : memref<5632xi32, #tpu.memory_space<vmem>>) target_semaphore(%arg9 : memref<!tpu.dma_semaphore, #tpu.memory_space<semaphore_mem>>)
    tpu.wait_dma2 semaphore(%arg8 : memref<!tpu.dma_semaphore, #tpu.memory_space<semaphore_mem>>) src(%arg2 : memref<10x1966xf32, #tpu.memory_space<hbm>>) dst(%arg5 : memref<10x1966xf32, #tpu.memory_space<vmem>>)
    %dma_wait3A = arith.constant 0 : i32
    %dma_wait3A_6 = tpu.memref_slice %arg3[%add3A, %dma_wait3A] : memref<32x5632xi32, #tpu.memory_space<hbm>> -> memref<1x5632xi32, #tpu.memory_space<hbm>>
    %dma_wait3A_7 = tpu.memref_squeeze %dma_wait3A_6 : memref<1x5632xi32, #tpu.memory_space<hbm>> -> memref<5632xi32, #tpu.memory_space<hbm>>
    %dma_wait3A_8 = arith.constant 0 : i32
    %dma_wait3A_9 = tpu.memref_slice %arg3[%add3A, %dma_wait3A_8] : memref<32x5632xi32, #tpu.memory_space<hbm>> -> memref<1x5632xi32, #tpu.memory_space<hbm>>
    %dma_wait3A_10 = tpu.memref_squeeze %dma_wait3A_9 : memref<1x5632xi32, #tpu.memory_space<hbm>> -> memref<5632xi32, #tpu.memory_space<hbm>>
    tpu.wait_dma2 semaphore(%arg9 : memref<!tpu.dma_semaphore, #tpu.memory_space<semaphore_mem>>) src(%dma_wait3A_10 : memref<5632xi32, #tpu.memory_space<hbm>>) dst(%arg6 : memref<5632xi32, #tpu.memory_space<vmem>>)
    %iota3A = tpu.iota {dimensions = array<i32: 0>} : vector<16xi32>
    %broadcast_in_dim3A = arith.constant 0 : i32
    %broadcast_in_dim3A_11 = vector.broadcast %broadcast_in_dim3A : i32 to vector<16xi32>
    %broadcast_in_dim3A_12 = arith.constant 1 : i32
    %broadcast_in_dim3A_13 = vector.broadcast %broadcast_in_dim3A_12 : i32 to vector<16xi32>
    %broadcast_in_dim3A_14 = arith.constant 2 : i32
    %broadcast_in_dim3A_15 = vector.broadcast %broadcast_in_dim3A_14 : i32 to vector<16xi32>
    %broadcast_in_dim3A_16 = arith.constant 3 : i32
    %broadcast_in_dim3A_17 = vector.broadcast %broadcast_in_dim3A_16 : i32 to vector<16xi32>
    %broadcast_in_dim3A_18 = arith.constant 4 : i32
    %broadcast_in_dim3A_19 = vector.broadcast %broadcast_in_dim3A_18 : i32 to vector<16xi32>
    %broadcast_in_dim3A_20 = arith.constant 5 : i32
    %broadcast_in_dim3A_21 = vector.broadcast %broadcast_in_dim3A_20 : i32 to vector<16xi32>
    %broadcast_in_dim3A_22 = arith.constant 6 : i32
    %broadcast_in_dim3A_23 = vector.broadcast %broadcast_in_dim3A_22 : i32 to vector<16xi32>
    %broadcast_in_dim3A_24 = arith.constant 7 : i32
    %broadcast_in_dim3A_25 = vector.broadcast %broadcast_in_dim3A_24 : i32 to vector<16xi32>
    %broadcast_in_dim3A_26 = arith.constant 8 : i32
    %broadcast_in_dim3A_27 = vector.broadcast %broadcast_in_dim3A_26 : i32 to vector<16xi32>
    %broadcast_in_dim3A_28 = arith.constant 9 : i32
    %broadcast_in_dim3A_29 = vector.broadcast %broadcast_in_dim3A_28 : i32 to vector<16xi32>
    %parallel_loop3A = arith.constant 0 : i32
    %parallel_loop3A_30 = arith.constant 32 : i32
    %parallel_loop3A_31 = arith.constant 1 : i32
    scf.for %parallel_loop3A_42 = %parallel_loop3A to %parallel_loop3A_30 step %parallel_loop3A_31  : i32 {
      %parallel_loop3A_43 = arith.constant 16 : i32
      %parallel_loop3A_44 = arith.muli %parallel_loop3A_42, %parallel_loop3A_43 : i32
      %parallel_loop3A_45 = vector.broadcast %parallel_loop3A_44 : i32 to vector<16xi32>
      %parallel_loop3A_46 = arith.addi %parallel_loop3A_45, %iota3A : vector<16xi32>
      %parallel_loop3A_47 = arith.constant 11 : i32
      %parallel_loop3A_48 = vector.broadcast %parallel_loop3A_47 : i32 to vector<16xi32>
      %parallel_loop3A_49 = arith.muli %parallel_loop3A_46, %parallel_loop3A_48 : vector<16xi32>
      %parallel_loop3A_50 = arith.constant 0 : i32
      %parallel_loop3A_51 = vector.broadcast %parallel_loop3A_50 : i32 to vector<16xi32>
      %parallel_loop3A_52 = arith.addi %parallel_loop3A_49, %parallel_loop3A_51 : vector<16xi32>
      %parallel_loop3A_53 = tpu.vector_load_idx %arg6[%parallel_loop3A_52] : memref<5632xi32, #tpu.memory_space<vmem>>[vector<16xi32>], vector<16xi32>,
      %parallel_loop3A_54 = arith.constant 1 : i32
      %parallel_loop3A_55 = vector.broadcast %parallel_loop3A_54 : i32 to vector<16xi32>
      %parallel_loop3A_56 = arith.addi %parallel_loop3A_49, %parallel_loop3A_55 : vector<16xi32>
      %parallel_loop3A_57 = tpu.vector_load_idx %arg6[%parallel_loop3A_56] : memref<5632xi32, #tpu.memory_space<vmem>>[vector<16xi32>], vector<16xi32>,
      %parallel_loop3A_58 = arith.constant 2 : i32
      %parallel_loop3A_59 = vector.broadcast %parallel_loop3A_58 : i32 to vector<16xi32>
      %parallel_loop3A_60 = arith.addi %parallel_loop3A_49, %parallel_loop3A_59 : vector<16xi32>
      %parallel_loop3A_61 = tpu.vector_load_idx %arg6[%parallel_loop3A_60] : memref<5632xi32, #tpu.memory_space<vmem>>[vector<16xi32>], vector<16xi32>,
      %parallel_loop3A_62 = arith.constant 3 : i32
      %parallel_loop3A_63 = vector.broadcast %parallel_loop3A_62 : i32 to vector<16xi32>
      %parallel_loop3A_64 = arith.addi %parallel_loop3A_49, %parallel_loop3A_63 : vector<16xi32>
      %parallel_loop3A_65 = tpu.vector_load_idx %arg6[%parallel_loop3A_64] : memref<5632xi32, #tpu.memory_space<vmem>>[vector<16xi32>], vector<16xi32>,
      %parallel_loop3A_66 = arith.constant 4 : i32
      %parallel_loop3A_67 = vector.broadcast %parallel_loop3A_66 : i32 to vector<16xi32>
      %parallel_loop3A_68 = arith.addi %parallel_loop3A_49, %parallel_loop3A_67 : vector<16xi32>
      %parallel_loop3A_69 = tpu.vector_load_idx %arg6[%parallel_loop3A_68] : memref<5632xi32, #tpu.memory_space<vmem>>[vector<16xi32>], vector<16xi32>,
      %parallel_loop3A_70 = arith.constant 5 : i32
      %parallel_loop3A_71 = vector.broadcast %parallel_loop3A_70 : i32 to vector<16xi32>
      %parallel_loop3A_72 = arith.addi %parallel_loop3A_49, %parallel_loop3A_71 : vector<16xi32>
      %parallel_loop3A_73 = tpu.vector_load_idx %arg6[%parallel_loop3A_72] : memref<5632xi32, #tpu.memory_space<vmem>>[vector<16xi32>], vector<16xi32>,
      %parallel_loop3A_74 = arith.constant 6 : i32
      %parallel_loop3A_75 = vector.broadcast %parallel_loop3A_74 : i32 to vector<16xi32>
      %parallel_loop3A_76 = arith.addi %parallel_loop3A_49, %parallel_loop3A_75 : vector<16xi32>
      %parallel_loop3A_77 = tpu.vector_load_idx %arg6[%parallel_loop3A_76] : memref<5632xi32, #tpu.memory_space<vmem>>[vector<16xi32>], vector<16xi32>,
      %parallel_loop3A_78 = arith.constant 7 : i32
      %parallel_loop3A_79 = vector.broadcast %parallel_loop3A_78 : i32 to vector<16xi32>
      %parallel_loop3A_80 = arith.addi %parallel_loop3A_49, %parallel_loop3A_79 : vector<16xi32>
      %parallel_loop3A_81 = tpu.vector_load_idx %arg6[%parallel_loop3A_80] : memref<5632xi32, #tpu.memory_space<vmem>>[vector<16xi32>], vector<16xi32>,
      %parallel_loop3A_82 = arith.constant 8 : i32
      %parallel_loop3A_83 = vector.broadcast %parallel_loop3A_82 : i32 to vector<16xi32>
      %parallel_loop3A_84 = arith.addi %parallel_loop3A_49, %parallel_loop3A_83 : vector<16xi32>
      %parallel_loop3A_85 = tpu.vector_load_idx %arg6[%parallel_loop3A_84] : memref<5632xi32, #tpu.memory_space<vmem>>[vector<16xi32>], vector<16xi32>,
      %parallel_loop3A_86 = arith.constant 9 : i32
      %parallel_loop3A_87 = vector.broadcast %parallel_loop3A_86 : i32 to vector<16xi32>
      %parallel_loop3A_88 = arith.addi %parallel_loop3A_49, %parallel_loop3A_87 : vector<16xi32>
      %parallel_loop3A_89 = tpu.vector_load_idx %arg6[%parallel_loop3A_88] : memref<5632xi32, #tpu.memory_space<vmem>>[vector<16xi32>], vector<16xi32>,
      %parallel_loop3A_90 = arith.constant 10 : i32
      %parallel_loop3A_91 = vector.broadcast %parallel_loop3A_90 : i32 to vector<16xi32>
      %parallel_loop3A_92 = arith.addi %parallel_loop3A_49, %parallel_loop3A_91 : vector<16xi32>
      %parallel_loop3A_93 = tpu.vector_load_idx %arg6[%parallel_loop3A_92] : memref<5632xi32, #tpu.memory_space<vmem>>[vector<16xi32>], vector<16xi32>,
      %parallel_loop3A_94 = tpu.vector_load_idx %arg5[%broadcast_in_dim3A_11, %parallel_loop3A_53] : memref<10x1966xf32, #tpu.memory_space<vmem>>[vector<16xi32>, vector<16xi32>], vector<16xf32>,
      %parallel_loop3A_95 = tpu.vector_load_idx %arg5[%broadcast_in_dim3A_11, %parallel_loop3A_57] : memref<10x1966xf32, #tpu.memory_space<vmem>>[vector<16xi32>, vector<16xi32>], vector<16xf32>,
      %parallel_loop3A_96 = arith.addf %parallel_loop3A_94, %parallel_loop3A_95 : vector<16xf32>
      %parallel_loop3A_97 = tpu.vector_load_idx %arg5[%broadcast_in_dim3A_11, %parallel_loop3A_61] : memref<10x1966xf32, #tpu.memory_space<vmem>>[vector<16xi32>, vector<16xi32>], vector<16xf32>,
      %parallel_loop3A_98 = arith.addf %parallel_loop3A_96, %parallel_loop3A_97 : vector<16xf32>
      %parallel_loop3A_99 = tpu.vector_load_idx %arg5[%broadcast_in_dim3A_11, %parallel_loop3A_65] : memref<10x1966xf32, #tpu.memory_space<vmem>>[vector<16xi32>, vector<16xi32>], vector<16xf32>,
      %parallel_loop3A_100 = arith.addf %parallel_loop3A_98, %parallel_loop3A_99 : vector<16xf32>
      %parallel_loop3A_101 = tpu.vector_load_idx %arg5[%broadcast_in_dim3A_11, %parallel_loop3A_69] : memref<10x1966xf32, #tpu.memory_space<vmem>>[vector<16xi32>, vector<16xi32>], vector<16xf32>,
      %parallel_loop3A_102 = arith.addf %parallel_loop3A_100, %parallel_loop3A_101 : vector<16xf32>
      %parallel_loop3A_103 = tpu.vector_load_idx %arg5[%broadcast_in_dim3A_11, %parallel_loop3A_73] : memref<10x1966xf32, #tpu.memory_space<vmem>>[vector<16xi32>, vector<16xi32>], vector<16xf32>,
      %parallel_loop3A_104 = arith.addf %parallel_loop3A_102, %parallel_loop3A_103 : vector<16xf32>
      %parallel_loop3A_105 = tpu.vector_load_idx %arg5[%broadcast_in_dim3A_11, %parallel_loop3A_77] : memref<10x1966xf32, #tpu.memory_space<vmem>>[vector<16xi32>, vector<16xi32>], vector<16xf32>,
      %parallel_loop3A_106 = arith.addf %parallel_loop3A_104, %parallel_loop3A_105 : vector<16xf32>
      %parallel_loop3A_107 = tpu.vector_load_idx %arg5[%broadcast_in_dim3A_11, %parallel_loop3A_81] : memref<10x1966xf32, #tpu.memory_space<vmem>>[vector<16xi32>, vector<16xi32>], vector<16xf32>,
      %parallel_loop3A_108 = arith.addf %parallel_loop3A_106, %parallel_loop3A_107 : vector<16xf32>
      %parallel_loop3A_109 = tpu.vector_load_idx %arg5[%broadcast_in_dim3A_11, %parallel_loop3A_85] : memref<10x1966xf32, #tpu.memory_space<vmem>>[vector<16xi32>, vector<16xi32>], vector<16xf32>,
      %parallel_loop3A_110 = arith.addf %parallel_loop3A_108, %parallel_loop3A_109 : vector<16xf32>
      %parallel_loop3A_111 = tpu.vector_load_idx %arg5[%broadcast_in_dim3A_11, %parallel_loop3A_89] : memref<10x1966xf32, #tpu.memory_space<vmem>>[vector<16xi32>, vector<16xi32>], vector<16xf32>,
      %parallel_loop3A_112 = arith.addf %parallel_loop3A_110, %parallel_loop3A_111 : vector<16xf32>
      %parallel_loop3A_113 = tpu.vector_load_idx %arg5[%broadcast_in_dim3A_11, %parallel_loop3A_93] : memref<10x1966xf32, #tpu.memory_space<vmem>>[vector<16xi32>, vector<16xi32>], vector<16xf32>,
      %parallel_loop3A_114 = arith.addf %parallel_loop3A_112, %parallel_loop3A_113 : vector<16xf32>
      tpu.vector_store_idx %arg7[%parallel_loop3A_46, %broadcast_in_dim3A_11], %parallel_loop3A_114 : memref<512x128xf32, #tpu.memory_space<vmem>>[vector<16xi32>, vector<16xi32>], vector<16xf32>,
      %parallel_loop3A_115 = tpu.vector_load_idx %arg5[%broadcast_in_dim3A_13, %parallel_loop3A_53] : memref<10x1966xf32, #tpu.memory_space<vmem>>[vector<16xi32>, vector<16xi32>], vector<16xf32>,
      %parallel_loop3A_116 = tpu.vector_load_idx %arg5[%broadcast_in_dim3A_13, %parallel_loop3A_57] : memref<10x1966xf32, #tpu.memory_space<vmem>>[vector<16xi32>, vector<16xi32>], vector<16xf32>,
      %parallel_loop3A_117 = arith.addf %parallel_loop3A_115, %parallel_loop3A_116 : vector<16xf32>
      %parallel_loop3A_118 = tpu.vector_load_idx %arg5[%broadcast_in_dim3A_13, %parallel_loop3A_61] : memref<10x1966xf32, #tpu.memory_space<vmem>>[vector<16xi32>, vector<16xi32>], vector<16xf32>,
      %parallel_loop3A_119 = arith.addf %parallel_loop3A_117, %parallel_loop3A_118 : vector<16xf32>
      %parallel_loop3A_120 = tpu.vector_load_idx %arg5[%broadcast_in_dim3A_13, %parallel_loop3A_65] : memref<10x1966xf32, #tpu.memory_space<vmem>>[vector<16xi32>, vector<16xi32>], vector<16xf32>,
      %parallel_loop3A_121 = arith.addf %parallel_loop3A_119, %parallel_loop3A_120 : vector<16xf32>
      %parallel_loop3A_122 = tpu.vector_load_idx %arg5[%broadcast_in_dim3A_13, %parallel_loop3A_69] : memref<10x1966xf32, #tpu.memory_space<vmem>>[vector<16xi32>, vector<16xi32>], vector<16xf32>,
      %parallel_loop3A_123 = arith.addf %parallel_loop3A_121, %parallel_loop3A_122 : vector<16xf32>
      %parallel_loop3A_124 = tpu.vector_load_idx %arg5[%broadcast_in_dim3A_13, %parallel_loop3A_73] : memref<10x1966xf32, #tpu.memory_space<vmem>>[vector<16xi32>, vector<16xi32>], vector<16xf32>,
      %parallel_loop3A_125 = arith.addf %parallel_loop3A_123, %parallel_loop3A_124 : vector<16xf32>
      %parallel_loop3A_126 = tpu.vector_load_idx %arg5[%broadcast_in_dim3A_13, %parallel_loop3A_77] : memref<10x1966xf32, #tpu.memory_space<vmem>>[vector<16xi32>, vector<16xi32>], vector<16xf32>,
      %parallel_loop3A_127 = arith.addf %parallel_loop3A_125, %parallel_loop3A_126 : vector<16xf32>
      %parallel_loop3A_128 = tpu.vector_load_idx %arg5[%broadcast_in_dim3A_13, %parallel_loop3A_81] : memref<10x1966xf32, #tpu.memory_space<vmem>>[vector<16xi32>, vector<16xi32>], vector<16xf32>,
      %parallel_loop3A_129 = arith.addf %parallel_loop3A_127, %parallel_loop3A_128 : vector<16xf32>
      %parallel_loop3A_130 = tpu.vector_load_idx %arg5[%broadcast_in_dim3A_13, %parallel_loop3A_85] : memref<10x1966xf32, #tpu.memory_space<vmem>>[vector<16xi32>, vector<16xi32>], vector<16xf32>,
      %parallel_loop3A_131 = arith.addf %parallel_loop3A_129, %parallel_loop3A_130 : vector<16xf32>
      %parallel_loop3A_132 = tpu.vector_load_idx %arg5[%broadcast_in_dim3A_13, %parallel_loop3A_89] : memref<10x1966xf32, #tpu.memory_space<vmem>>[vector<16xi32>, vector<16xi32>], vector<16xf32>,
      %parallel_loop3A_133 = arith.addf %parallel_loop3A_131, %parallel_loop3A_132 : vector<16xf32>
      %parallel_loop3A_134 = tpu.vector_load_idx %arg5[%broadcast_in_dim3A_13, %parallel_loop3A_93] : memref<10x1966xf32, #tpu.memory_space<vmem>>[vector<16xi32>, vector<16xi32>], vector<16xf32>,
      %parallel_loop3A_135 = arith.addf %parallel_loop3A_133, %parallel_loop3A_134 : vector<16xf32>
      tpu.vector_store_idx %arg7[%parallel_loop3A_46, %broadcast_in_dim3A_13], %parallel_loop3A_135 : memref<512x128xf32, #tpu.memory_space<vmem>>[vector<16xi32>, vector<16xi32>], vector<16xf32>,
      %parallel_loop3A_136 = tpu.vector_load_idx %arg5[%broadcast_in_dim3A_15, %parallel_loop3A_53] : memref<10x1966xf32, #tpu.memory_space<vmem>>[vector<16xi32>, vector<16xi32>], vector<16xf32>,
      %parallel_loop3A_137 = tpu.vector_load_idx %arg5[%broadcast_in_dim3A_15, %parallel_loop3A_57] : memref<10x1966xf32, #tpu.memory_space<vmem>>[vector<16xi32>, vector<16xi32>], vector<16xf32>,
      %parallel_loop3A_138 = arith.addf %parallel_loop3A_136, %parallel_loop3A_137 : vector<16xf32>
      %parallel_loop3A_139 = tpu.vector_load_idx %arg5[%broadcast_in_dim3A_15, %parallel_loop3A_61] : memref<10x1966xf32, #tpu.memory_space<vmem>>[vector<16xi32>, vector<16xi32>], vector<16xf32>,
      %parallel_loop3A_140 = arith.addf %parallel_loop3A_138, %parallel_loop3A_139 : vector<16xf32>
      %parallel_loop3A_141 = tpu.vector_load_idx %arg5[%broadcast_in_dim3A_15, %parallel_loop3A_65] : memref<10x1966xf32, #tpu.memory_space<vmem>>[vector<16xi32>, vector<16xi32>], vector<16xf32>,
      %parallel_loop3A_142 = arith.addf %parallel_loop3A_140, %parallel_loop3A_141 : vector<16xf32>
      %parallel_loop3A_143 = tpu.vector_load_idx %arg5[%broadcast_in_dim3A_15, %parallel_loop3A_69] : memref<10x1966xf32, #tpu.memory_space<vmem>>[vector<16xi32>, vector<16xi32>], vector<16xf32>,
      %parallel_loop3A_144 = arith.addf %parallel_loop3A_142, %parallel_loop3A_143 : vector<16xf32>
      %parallel_loop3A_145 = tpu.vector_load_idx %arg5[%broadcast_in_dim3A_15, %parallel_loop3A_73] : memref<10x1966xf32, #tpu.memory_space<vmem>>[vector<16xi32>, vector<16xi32>], vector<16xf32>,
      %parallel_loop3A_146 = arith.addf %parallel_loop3A_144, %parallel_loop3A_145 : vector<16xf32>
      %parallel_loop3A_147 = tpu.vector_load_idx %arg5[%broadcast_in_dim3A_15, %parallel_loop3A_77] : memref<10x1966xf32, #tpu.memory_space<vmem>>[vector<16xi32>, vector<16xi32>], vector<16xf32>,
      %parallel_loop3A_148 = arith.addf %parallel_loop3A_146, %parallel_loop3A_147 : vector<16xf32>
      %parallel_loop3A_149 = tpu.vector_load_idx %arg5[%broadcast_in_dim3A_15, %parallel_loop3A_81] : memref<10x1966xf32, #tpu.memory_space<vmem>>[vector<16xi32>, vector<16xi32>], vector<16xf32>,
      %parallel_loop3A_150 = arith.addf %parallel_loop3A_148, %parallel_loop3A_149 : vector<16xf32>
      %parallel_loop3A_151 = tpu.vector_load_idx %arg5[%broadcast_in_dim3A_15, %parallel_loop3A_85] : memref<10x1966xf32, #tpu.memory_space<vmem>>[vector<16xi32>, vector<16xi32>], vector<16xf32>,
      %parallel_loop3A_152 = arith.addf %parallel_loop3A_150, %parallel_loop3A_151 : vector<16xf32>
      %parallel_loop3A_153 = tpu.vector_load_idx %arg5[%broadcast_in_dim3A_15, %parallel_loop3A_89] : memref<10x1966xf32, #tpu.memory_space<vmem>>[vector<16xi32>, vector<16xi32>], vector<16xf32>,
      %parallel_loop3A_154 = arith.addf %parallel_loop3A_152, %parallel_loop3A_153 : vector<16xf32>
      %parallel_loop3A_155 = tpu.vector_load_idx %arg5[%broadcast_in_dim3A_15, %parallel_loop3A_93] : memref<10x1966xf32, #tpu.memory_space<vmem>>[vector<16xi32>, vector<16xi32>], vector<16xf32>,
      %parallel_loop3A_156 = arith.addf %parallel_loop3A_154, %parallel_loop3A_155 : vector<16xf32>
      tpu.vector_store_idx %arg7[%parallel_loop3A_46, %broadcast_in_dim3A_15], %parallel_loop3A_156 : memref<512x128xf32, #tpu.memory_space<vmem>>[vector<16xi32>, vector<16xi32>], vector<16xf32>,
      %parallel_loop3A_157 = tpu.vector_load_idx %arg5[%broadcast_in_dim3A_17, %parallel_loop3A_53] : memref<10x1966xf32, #tpu.memory_space<vmem>>[vector<16xi32>, vector<16xi32>], vector<16xf32>,
      %parallel_loop3A_158 = tpu.vector_load_idx %arg5[%broadcast_in_dim3A_17, %parallel_loop3A_57] : memref<10x1966xf32, #tpu.memory_space<vmem>>[vector<16xi32>, vector<16xi32>], vector<16xf32>,
      %parallel_loop3A_159 = arith.addf %parallel_loop3A_157, %parallel_loop3A_158 : vector<16xf32>
      %parallel_loop3A_160 = tpu.vector_load_idx %arg5[%broadcast_in_dim3A_17, %parallel_loop3A_61] : memref<10x1966xf32, #tpu.memory_space<vmem>>[vector<16xi32>, vector<16xi32>], vector<16xf32>,
      %parallel_loop3A_161 = arith.addf %parallel_loop3A_159, %parallel_loop3A_160 : vector<16xf32>
      %parallel_loop3A_162 = tpu.vector_load_idx %arg5[%broadcast_in_dim3A_17, %parallel_loop3A_65] : memref<10x1966xf32, #tpu.memory_space<vmem>>[vector<16xi32>, vector<16xi32>], vector<16xf32>,
      %parallel_loop3A_163 = arith.addf %parallel_loop3A_161, %parallel_loop3A_162 : vector<16xf32>
      %parallel_loop3A_164 = tpu.vector_load_idx %arg5[%broadcast_in_dim3A_17, %parallel_loop3A_69] : memref<10x1966xf32, #tpu.memory_space<vmem>>[vector<16xi32>, vector<16xi32>], vector<16xf32>,
      %parallel_loop3A_165 = arith.addf %parallel_loop3A_163, %parallel_loop3A_164 : vector<16xf32>
      %parallel_loop3A_166 = tpu.vector_load_idx %arg5[%broadcast_in_dim3A_17, %parallel_loop3A_73] : memref<10x1966xf32, #tpu.memory_space<vmem>>[vector<16xi32>, vector<16xi32>], vector<16xf32>,
      %parallel_loop3A_167 = arith.addf %parallel_loop3A_165, %parallel_loop3A_166 : vector<16xf32>
      %parallel_loop3A_168 = tpu.vector_load_idx %arg5[%broadcast_in_dim3A_17, %parallel_loop3A_77] : memref<10x1966xf32, #tpu.memory_space<vmem>>[vector<16xi32>, vector<16xi32>], vector<16xf32>,
      %parallel_loop3A_169 = arith.addf %parallel_loop3A_167, %parallel_loop3A_168 : vector<16xf32>
      %parallel_loop3A_170 = tpu.vector_load_idx %arg5[%broadcast_in_dim3A_17, %parallel_loop3A_81] : memref<10x1966xf32, #tpu.memory_space<vmem>>[vector<16xi32>, vector<16xi32>], vector<16xf32>,
      %parallel_loop3A_171 = arith.addf %parallel_loop3A_169, %parallel_loop3A_170 : vector<16xf32>
      %parallel_loop3A_172 = tpu.vector_load_idx %arg5[%broadcast_in_dim3A_17, %parallel_loop3A_85] : memref<10x1966xf32, #tpu.memory_space<vmem>>[vector<16xi32>, vector<16xi32>], vector<16xf32>,
      %parallel_loop3A_173 = arith.addf %parallel_loop3A_171, %parallel_loop3A_172 : vector<16xf32>
      %parallel_loop3A_174 = tpu.vector_load_idx %arg5[%broadcast_in_dim3A_17, %parallel_loop3A_89] : memref<10x1966xf32, #tpu.memory_space<vmem>>[vector<16xi32>, vector<16xi32>], vector<16xf32>,
      %parallel_loop3A_175 = arith.addf %parallel_loop3A_173, %parallel_loop3A_174 : vector<16xf32>
      %parallel_loop3A_176 = tpu.vector_load_idx %arg5[%broadcast_in_dim3A_17, %parallel_loop3A_93] : memref<10x1966xf32, #tpu.memory_space<vmem>>[vector<16xi32>, vector<16xi32>], vector<16xf32>,
      %parallel_loop3A_177 = arith.addf %parallel_loop3A_175, %parallel_loop3A_176 : vector<16xf32>
      tpu.vector_store_idx %arg7[%parallel_loop3A_46, %broadcast_in_dim3A_17], %parallel_loop3A_177 : memref<512x128xf32, #tpu.memory_space<vmem>>[vector<16xi32>, vector<16xi32>], vector<16xf32>,
      %parallel_loop3A_178 = tpu.vector_load_idx %arg5[%broadcast_in_dim3A_19, %parallel_loop3A_53] : memref<10x1966xf32, #tpu.memory_space<vmem>>[vector<16xi32>, vector<16xi32>], vector<16xf32>,
      %parallel_loop3A_179 = tpu.vector_load_idx %arg5[%broadcast_in_dim3A_19, %parallel_loop3A_57] : memref<10x1966xf32, #tpu.memory_space<vmem>>[vector<16xi32>, vector<16xi32>], vector<16xf32>,
      %parallel_loop3A_180 = arith.addf %parallel_loop3A_178, %parallel_loop3A_179 : vector<16xf32>
      %parallel_loop3A_181 = tpu.vector_load_idx %arg5[%broadcast_in_dim3A_19, %parallel_loop3A_61] : memref<10x1966xf32, #tpu.memory_space<vmem>>[vector<16xi32>, vector<16xi32>], vector<16xf32>,
      %parallel_loop3A_182 = arith.addf %parallel_loop3A_180, %parallel_loop3A_181 : vector<16xf32>
      %parallel_loop3A_183 = tpu.vector_load_idx %arg5[%broadcast_in_dim3A_19, %parallel_loop3A_65] : memref<10x1966xf32, #tpu.memory_space<vmem>>[vector<16xi32>, vector<16xi32>], vector<16xf32>,
      %parallel_loop3A_184 = arith.addf %parallel_loop3A_182, %parallel_loop3A_183 : vector<16xf32>
      %parallel_loop3A_185 = tpu.vector_load_idx %arg5[%broadcast_in_dim3A_19, %parallel_loop3A_69] : memref<10x1966xf32, #tpu.memory_space<vmem>>[vector<16xi32>, vector<16xi32>], vector<16xf32>,
      %parallel_loop3A_186 = arith.addf %parallel_loop3A_184, %parallel_loop3A_185 : vector<16xf32>
      %parallel_loop3A_187 = tpu.vector_load_idx %arg5[%broadcast_in_dim3A_19, %parallel_loop3A_73] : memref<10x1966xf32, #tpu.memory_space<vmem>>[vector<16xi32>, vector<16xi32>], vector<16xf32>,
      %parallel_loop3A_188 = arith.addf %parallel_loop3A_186, %parallel_loop3A_187 : vector<16xf32>
      %parallel_loop3A_189 = tpu.vector_load_idx %arg5[%broadcast_in_dim3A_19, %parallel_loop3A_77] : memref<10x1966xf32, #tpu.memory_space<vmem>>[vector<16xi32>, vector<16xi32>], vector<16xf32>,
      %parallel_loop3A_190 = arith.addf %parallel_loop3A_188, %parallel_loop3A_189 : vector<16xf32>
      %parallel_loop3A_191 = tpu.vector_load_idx %arg5[%broadcast_in_dim3A_19, %parallel_loop3A_81] : memref<10x1966xf32, #tpu.memory_space<vmem>>[vector<16xi32>, vector<16xi32>], vector<16xf32>,
      %parallel_loop3A_192 = arith.addf %parallel_loop3A_190, %parallel_loop3A_191 : vector<16xf32>
      %parallel_loop3A_193 = tpu.vector_load_idx %arg5[%broadcast_in_dim3A_19, %parallel_loop3A_85] : memref<10x1966xf32, #tpu.memory_space<vmem>>[vector<16xi32>, vector<16xi32>], vector<16xf32>,
      %parallel_loop3A_194 = arith.addf %parallel_loop3A_192, %parallel_loop3A_193 : vector<16xf32>
      %parallel_loop3A_195 = tpu.vector_load_idx %arg5[%broadcast_in_dim3A_19, %parallel_loop3A_89] : memref<10x1966xf32, #tpu.memory_space<vmem>>[vector<16xi32>, vector<16xi32>], vector<16xf32>,
      %parallel_loop3A_196 = arith.addf %parallel_loop3A_194, %parallel_loop3A_195 : vector<16xf32>
      %parallel_loop3A_197 = tpu.vector_load_idx %arg5[%broadcast_in_dim3A_19, %parallel_loop3A_93] : memref<10x1966xf32, #tpu.memory_space<vmem>>[vector<16xi32>, vector<16xi32>], vector<16xf32>,
      %parallel_loop3A_198 = arith.addf %parallel_loop3A_196, %parallel_loop3A_197 : vector<16xf32>
      tpu.vector_store_idx %arg7[%parallel_loop3A_46, %broadcast_in_dim3A_19], %parallel_loop3A_198 : memref<512x128xf32, #tpu.memory_space<vmem>>[vector<16xi32>, vector<16xi32>], vector<16xf32>,
      %parallel_loop3A_199 = tpu.vector_load_idx %arg5[%broadcast_in_dim3A_21, %parallel_loop3A_53] : memref<10x1966xf32, #tpu.memory_space<vmem>>[vector<16xi32>, vector<16xi32>], vector<16xf32>,
      %parallel_loop3A_200 = tpu.vector_load_idx %arg5[%broadcast_in_dim3A_21, %parallel_loop3A_57] : memref<10x1966xf32, #tpu.memory_space<vmem>>[vector<16xi32>, vector<16xi32>], vector<16xf32>,
      %parallel_loop3A_201 = arith.addf %parallel_loop3A_199, %parallel_loop3A_200 : vector<16xf32>
      %parallel_loop3A_202 = tpu.vector_load_idx %arg5[%broadcast_in_dim3A_21, %parallel_loop3A_61] : memref<10x1966xf32, #tpu.memory_space<vmem>>[vector<16xi32>, vector<16xi32>], vector<16xf32>,
      %parallel_loop3A_203 = arith.addf %parallel_loop3A_201, %parallel_loop3A_202 : vector<16xf32>
      %parallel_loop3A_204 = tpu.vector_load_idx %arg5[%broadcast_in_dim3A_21, %parallel_loop3A_65] : memref<10x1966xf32, #tpu.memory_space<vmem>>[vector<16xi32>, vector<16xi32>], vector<16xf32>,
      %parallel_loop3A_205 = arith.addf %parallel_loop3A_203, %parallel_loop3A_204 : vector<16xf32>
      %parallel_loop3A_206 = tpu.vector_load_idx %arg5[%broadcast_in_dim3A_21, %parallel_loop3A_69] : memref<10x1966xf32, #tpu.memory_space<vmem>>[vector<16xi32>, vector<16xi32>], vector<16xf32>,
      %parallel_loop3A_207 = arith.addf %parallel_loop3A_205, %parallel_loop3A_206 : vector<16xf32>
      %parallel_loop3A_208 = tpu.vector_load_idx %arg5[%broadcast_in_dim3A_21, %parallel_loop3A_73] : memref<10x1966xf32, #tpu.memory_space<vmem>>[vector<16xi32>, vector<16xi32>], vector<16xf32>,
      %parallel_loop3A_209 = arith.addf %parallel_loop3A_207, %parallel_loop3A_208 : vector<16xf32>
      %parallel_loop3A_210 = tpu.vector_load_idx %arg5[%broadcast_in_dim3A_21, %parallel_loop3A_77] : memref<10x1966xf32, #tpu.memory_space<vmem>>[vector<16xi32>, vector<16xi32>], vector<16xf32>,
      %parallel_loop3A_211 = arith.addf %parallel_loop3A_209, %parallel_loop3A_210 : vector<16xf32>
      %parallel_loop3A_212 = tpu.vector_load_idx %arg5[%broadcast_in_dim3A_21, %parallel_loop3A_81] : memref<10x1966xf32, #tpu.memory_space<vmem>>[vector<16xi32>, vector<16xi32>], vector<16xf32>,
      %parallel_loop3A_213 = arith.addf %parallel_loop3A_211, %parallel_loop3A_212 : vector<16xf32>
      %parallel_loop3A_214 = tpu.vector_load_idx %arg5[%broadcast_in_dim3A_21, %parallel_loop3A_85] : memref<10x1966xf32, #tpu.memory_space<vmem>>[vector<16xi32>, vector<16xi32>], vector<16xf32>,
      %parallel_loop3A_215 = arith.addf %parallel_loop3A_213, %parallel_loop3A_214 : vector<16xf32>
      %parallel_loop3A_216 = tpu.vector_load_idx %arg5[%broadcast_in_dim3A_21, %parallel_loop3A_89] : memref<10x1966xf32, #tpu.memory_space<vmem>>[vector<16xi32>, vector<16xi32>], vector<16xf32>,
      %parallel_loop3A_217 = arith.addf %parallel_loop3A_215, %parallel_loop3A_216 : vector<16xf32>
      %parallel_loop3A_218 = tpu.vector_load_idx %arg5[%broadcast_in_dim3A_21, %parallel_loop3A_93] : memref<10x1966xf32, #tpu.memory_space<vmem>>[vector<16xi32>, vector<16xi32>], vector<16xf32>,
      %parallel_loop3A_219 = arith.addf %parallel_loop3A_217, %parallel_loop3A_218 : vector<16xf32>
      tpu.vector_store_idx %arg7[%parallel_loop3A_46, %broadcast_in_dim3A_21], %parallel_loop3A_219 : memref<512x128xf32, #tpu.memory_space<vmem>>[vector<16xi32>, vector<16xi32>], vector<16xf32>,
      %parallel_loop3A_220 = tpu.vector_load_idx %arg5[%broadcast_in_dim3A_23, %parallel_loop3A_53] : memref<10x1966xf32, #tpu.memory_space<vmem>>[vector<16xi32>, vector<16xi32>], vector<16xf32>,
      %parallel_loop3A_221 = tpu.vector_load_idx %arg5[%broadcast_in_dim3A_23, %parallel_loop3A_57] : memref<10x1966xf32, #tpu.memory_space<vmem>>[vector<16xi32>, vector<16xi32>], vector<16xf32>,
      %parallel_loop3A_222 = arith.addf %parallel_loop3A_220, %parallel_loop3A_221 : vector<16xf32>
      %parallel_loop3A_223 = tpu.vector_load_idx %arg5[%broadcast_in_dim3A_23, %parallel_loop3A_61] : memref<10x1966xf32, #tpu.memory_space<vmem>>[vector<16xi32>, vector<16xi32>], vector<16xf32>,
      %parallel_loop3A_224 = arith.addf %parallel_loop3A_222, %parallel_loop3A_223 : vector<16xf32>
      %parallel_loop3A_225 = tpu.vector_load_idx %arg5[%broadcast_in_dim3A_23, %parallel_loop3A_65] : memref<10x1966xf32, #tpu.memory_space<vmem>>[vector<16xi32>, vector<16xi32>], vector<16xf32>,
      %parallel_loop3A_226 = arith.addf %parallel_loop3A_224, %parallel_loop3A_225 : vector<16xf32>
      %parallel_loop3A_227 = tpu.vector_load_idx %arg5[%broadcast_in_dim3A_23, %parallel_loop3A_69] : memref<10x1966xf32, #tpu.memory_space<vmem>>[vector<16xi32>, vector<16xi32>], vector<16xf32>,
      %parallel_loop3A_228 = arith.addf %parallel_loop3A_226, %parallel_loop3A_227 : vector<16xf32>
      %parallel_loop3A_229 = tpu.vector_load_idx %arg5[%broadcast_in_dim3A_23, %parallel_loop3A_73] : memref<10x1966xf32, #tpu.memory_space<vmem>>[vector<16xi32>, vector<16xi32>], vector<16xf32>,
      %parallel_loop3A_230 = arith.addf %parallel_loop3A_228, %parallel_loop3A_229 : vector<16xf32>
      %parallel_loop3A_231 = tpu.vector_load_idx %arg5[%broadcast_in_dim3A_23, %parallel_loop3A_77] : memref<10x1966xf32, #tpu.memory_space<vmem>>[vector<16xi32>, vector<16xi32>], vector<16xf32>,
      %parallel_loop3A_232 = arith.addf %parallel_loop3A_230, %parallel_loop3A_231 : vector<16xf32>
      %parallel_loop3A_233 = tpu.vector_load_idx %arg5[%broadcast_in_dim3A_23, %parallel_loop3A_81] : memref<10x1966xf32, #tpu.memory_space<vmem>>[vector<16xi32>, vector<16xi32>], vector<16xf32>,
      %parallel_loop3A_234 = arith.addf %parallel_loop3A_232, %parallel_loop3A_233 : vector<16xf32>
      %parallel_loop3A_235 = tpu.vector_load_idx %arg5[%broadcast_in_dim3A_23, %parallel_loop3A_85] : memref<10x1966xf32, #tpu.memory_space<vmem>>[vector<16xi32>, vector<16xi32>], vector<16xf32>,
      %parallel_loop3A_236 = arith.addf %parallel_loop3A_234, %parallel_loop3A_235 : vector<16xf32>
      %parallel_loop3A_237 = tpu.vector_load_idx %arg5[%broadcast_in_dim3A_23, %parallel_loop3A_89] : memref<10x1966xf32, #tpu.memory_space<vmem>>[vector<16xi32>, vector<16xi32>], vector<16xf32>,
      %parallel_loop3A_238 = arith.addf %parallel_loop3A_236, %parallel_loop3A_237 : vector<16xf32>
      %parallel_loop3A_239 = tpu.vector_load_idx %arg5[%broadcast_in_dim3A_23, %parallel_loop3A_93] : memref<10x1966xf32, #tpu.memory_space<vmem>>[vector<16xi32>, vector<16xi32>], vector<16xf32>,
      %parallel_loop3A_240 = arith.addf %parallel_loop3A_238, %parallel_loop3A_239 : vector<16xf32>
      tpu.vector_store_idx %arg7[%parallel_loop3A_46, %broadcast_in_dim3A_23], %parallel_loop3A_240 : memref<512x128xf32, #tpu.memory_space<vmem>>[vector<16xi32>, vector<16xi32>], vector<16xf32>,
      %parallel_loop3A_241 = tpu.vector_load_idx %arg5[%broadcast_in_dim3A_25, %parallel_loop3A_53] : memref<10x1966xf32, #tpu.memory_space<vmem>>[vector<16xi32>, vector<16xi32>], vector<16xf32>,
      %parallel_loop3A_242 = tpu.vector_load_idx %arg5[%broadcast_in_dim3A_25, %parallel_loop3A_57] : memref<10x1966xf32, #tpu.memory_space<vmem>>[vector<16xi32>, vector<16xi32>], vector<16xf32>,
      %parallel_loop3A_243 = arith.addf %parallel_loop3A_241, %parallel_loop3A_242 : vector<16xf32>
      %parallel_loop3A_244 = tpu.vector_load_idx %arg5[%broadcast_in_dim3A_25, %parallel_loop3A_61] : memref<10x1966xf32, #tpu.memory_space<vmem>>[vector<16xi32>, vector<16xi32>], vector<16xf32>,
      %parallel_loop3A_245 = arith.addf %parallel_loop3A_243, %parallel_loop3A_244 : vector<16xf32>
      %parallel_loop3A_246 = tpu.vector_load_idx %arg5[%broadcast_in_dim3A_25, %parallel_loop3A_65] : memref<10x1966xf32, #tpu.memory_space<vmem>>[vector<16xi32>, vector<16xi32>], vector<16xf32>,
      %parallel_loop3A_247 = arith.addf %parallel_loop3A_245, %parallel_loop3A_246 : vector<16xf32>
      %parallel_loop3A_248 = tpu.vector_load_idx %arg5[%broadcast_in_dim3A_25, %parallel_loop3A_69] : memref<10x1966xf32, #tpu.memory_space<vmem>>[vector<16xi32>, vector<16xi32>], vector<16xf32>,
      %parallel_loop3A_249 = arith.addf %parallel_loop3A_247, %parallel_loop3A_248 : vector<16xf32>
      %parallel_loop3A_250 = tpu.vector_load_idx %arg5[%broadcast_in_dim3A_25, %parallel_loop3A_73] : memref<10x1966xf32, #tpu.memory_space<vmem>>[vector<16xi32>, vector<16xi32>], vector<16xf32>,
      %parallel_loop3A_251 = arith.addf %parallel_loop3A_249, %parallel_loop3A_250 : vector<16xf32>
      %parallel_loop3A_252 = tpu.vector_load_idx %arg5[%broadcast_in_dim3A_25, %parallel_loop3A_77] : memref<10x1966xf32, #tpu.memory_space<vmem>>[vector<16xi32>, vector<16xi32>], vector<16xf32>,
      %parallel_loop3A_253 = arith.addf %parallel_loop3A_251, %parallel_loop3A_252 : vector<16xf32>
      %parallel_loop3A_254 = tpu.vector_load_idx %arg5[%broadcast_in_dim3A_25, %parallel_loop3A_81] : memref<10x1966xf32, #tpu.memory_space<vmem>>[vector<16xi32>, vector<16xi32>], vector<16xf32>,
      %parallel_loop3A_255 = arith.addf %parallel_loop3A_253, %parallel_loop3A_254 : vector<16xf32>
      %parallel_loop3A_256 = tpu.vector_load_idx %arg5[%broadcast_in_dim3A_25, %parallel_loop3A_85] : memref<10x1966xf32, #tpu.memory_space<vmem>>[vector<16xi32>, vector<16xi32>], vector<16xf32>,
      %parallel_loop3A_257 = arith.addf %parallel_loop3A_255, %parallel_loop3A_256 : vector<16xf32>
      %parallel_loop3A_258 = tpu.vector_load_idx %arg5[%broadcast_in_dim3A_25, %parallel_loop3A_89] : memref<10x1966xf32, #tpu.memory_space<vmem>>[vector<16xi32>, vector<16xi32>], vector<16xf32>,
      %parallel_loop3A_259 = arith.addf %parallel_loop3A_257, %parallel_loop3A_258 : vector<16xf32>
      %parallel_loop3A_260 = tpu.vector_load_idx %arg5[%broadcast_in_dim3A_25, %parallel_loop3A_93] : memref<10x1966xf32, #tpu.memory_space<vmem>>[vector<16xi32>, vector<16xi32>], vector<16xf32>,
      %parallel_loop3A_261 = arith.addf %parallel_loop3A_259, %parallel_loop3A_260 : vector<16xf32>
      tpu.vector_store_idx %arg7[%parallel_loop3A_46, %broadcast_in_dim3A_25], %parallel_loop3A_261 : memref<512x128xf32, #tpu.memory_space<vmem>>[vector<16xi32>, vector<16xi32>], vector<16xf32>,
      %parallel_loop3A_262 = tpu.vector_load_idx %arg5[%broadcast_in_dim3A_27, %parallel_loop3A_53] : memref<10x1966xf32, #tpu.memory_space<vmem>>[vector<16xi32>, vector<16xi32>], vector<16xf32>,
      %parallel_loop3A_263 = tpu.vector_load_idx %arg5[%broadcast_in_dim3A_27, %parallel_loop3A_57] : memref<10x1966xf32, #tpu.memory_space<vmem>>[vector<16xi32>, vector<16xi32>], vector<16xf32>,
      %parallel_loop3A_264 = arith.addf %parallel_loop3A_262, %parallel_loop3A_263 : vector<16xf32>
      %parallel_loop3A_265 = tpu.vector_load_idx %arg5[%broadcast_in_dim3A_27, %parallel_loop3A_61] : memref<10x1966xf32, #tpu.memory_space<vmem>>[vector<16xi32>, vector<16xi32>], vector<16xf32>,
      %parallel_loop3A_266 = arith.addf %parallel_loop3A_264, %parallel_loop3A_265 : vector<16xf32>
      %parallel_loop3A_267 = tpu.vector_load_idx %arg5[%broadcast_in_dim3A_27, %parallel_loop3A_65] : memref<10x1966xf32, #tpu.memory_space<vmem>>[vector<16xi32>, vector<16xi32>], vector<16xf32>,
      %parallel_loop3A_268 = arith.addf %parallel_loop3A_266, %parallel_loop3A_267 : vector<16xf32>
      %parallel_loop3A_269 = tpu.vector_load_idx %arg5[%broadcast_in_dim3A_27, %parallel_loop3A_69] : memref<10x1966xf32, #tpu.memory_space<vmem>>[vector<16xi32>, vector<16xi32>], vector<16xf32>,
      %parallel_loop3A_270 = arith.addf %parallel_loop3A_268, %parallel_loop3A_269 : vector<16xf32>
      %parallel_loop3A_271 = tpu.vector_load_idx %arg5[%broadcast_in_dim3A_27, %parallel_loop3A_73] : memref<10x1966xf32, #tpu.memory_space<vmem>>[vector<16xi32>, vector<16xi32>], vector<16xf32>,
      %parallel_loop3A_272 = arith.addf %parallel_loop3A_270, %parallel_loop3A_271 : vector<16xf32>
      %parallel_loop3A_273 = tpu.vector_load_idx %arg5[%broadcast_in_dim3A_27, %parallel_loop3A_77] : memref<10x1966xf32, #tpu.memory_space<vmem>>[vector<16xi32>, vector<16xi32>], vector<16xf32>,
      %parallel_loop3A_274 = arith.addf %parallel_loop3A_272, %parallel_loop3A_273 : vector<16xf32>
      %parallel_loop3A_275 = tpu.vector_load_idx %arg5[%broadcast_in_dim3A_27, %parallel_loop3A_81] : memref<10x1966xf32, #tpu.memory_space<vmem>>[vector<16xi32>, vector<16xi32>], vector<16xf32>,
      %parallel_loop3A_276 = arith.addf %parallel_loop3A_274, %parallel_loop3A_275 : vector<16xf32>
      %parallel_loop3A_277 = tpu.vector_load_idx %arg5[%broadcast_in_dim3A_27, %parallel_loop3A_85] : memref<10x1966xf32, #tpu.memory_space<vmem>>[vector<16xi32>, vector<16xi32>], vector<16xf32>,
      %parallel_loop3A_278 = arith.addf %parallel_loop3A_276, %parallel_loop3A_277 : vector<16xf32>
      %parallel_loop3A_279 = tpu.vector_load_idx %arg5[%broadcast_in_dim3A_27, %parallel_loop3A_89] : memref<10x1966xf32, #tpu.memory_space<vmem>>[vector<16xi32>, vector<16xi32>], vector<16xf32>,
      %parallel_loop3A_280 = arith.addf %parallel_loop3A_278, %parallel_loop3A_279 : vector<16xf32>
      %parallel_loop3A_281 = tpu.vector_load_idx %arg5[%broadcast_in_dim3A_27, %parallel_loop3A_93] : memref<10x1966xf32, #tpu.memory_space<vmem>>[vector<16xi32>, vector<16xi32>], vector<16xf32>,
      %parallel_loop3A_282 = arith.addf %parallel_loop3A_280, %parallel_loop3A_281 : vector<16xf32>
      tpu.vector_store_idx %arg7[%parallel_loop3A_46, %broadcast_in_dim3A_27], %parallel_loop3A_282 : memref<512x128xf32, #tpu.memory_space<vmem>>[vector<16xi32>, vector<16xi32>], vector<16xf32>,
      %parallel_loop3A_283 = tpu.vector_load_idx %arg5[%broadcast_in_dim3A_29, %parallel_loop3A_53] : memref<10x1966xf32, #tpu.memory_space<vmem>>[vector<16xi32>, vector<16xi32>], vector<16xf32>,
      %parallel_loop3A_284 = tpu.vector_load_idx %arg5[%broadcast_in_dim3A_29, %parallel_loop3A_57] : memref<10x1966xf32, #tpu.memory_space<vmem>>[vector<16xi32>, vector<16xi32>], vector<16xf32>,
      %parallel_loop3A_285 = arith.addf %parallel_loop3A_283, %parallel_loop3A_284 : vector<16xf32>
      %parallel_loop3A_286 = tpu.vector_load_idx %arg5[%broadcast_in_dim3A_29, %parallel_loop3A_61] : memref<10x1966xf32, #tpu.memory_space<vmem>>[vector<16xi32>, vector<16xi32>], vector<16xf32>,
      %parallel_loop3A_287 = arith.addf %parallel_loop3A_285, %parallel_loop3A_286 : vector<16xf32>
      %parallel_loop3A_288 = tpu.vector_load_idx %arg5[%broadcast_in_dim3A_29, %parallel_loop3A_65] : memref<10x1966xf32, #tpu.memory_space<vmem>>[vector<16xi32>, vector<16xi32>], vector<16xf32>,
      %parallel_loop3A_289 = arith.addf %parallel_loop3A_287, %parallel_loop3A_288 : vector<16xf32>
      %parallel_loop3A_290 = tpu.vector_load_idx %arg5[%broadcast_in_dim3A_29, %parallel_loop3A_69] : memref<10x1966xf32, #tpu.memory_space<vmem>>[vector<16xi32>, vector<16xi32>], vector<16xf32>,
      %parallel_loop3A_291 = arith.addf %parallel_loop3A_289, %parallel_loop3A_290 : vector<16xf32>
      %parallel_loop3A_292 = tpu.vector_load_idx %arg5[%broadcast_in_dim3A_29, %parallel_loop3A_73] : memref<10x1966xf32, #tpu.memory_space<vmem>>[vector<16xi32>, vector<16xi32>], vector<16xf32>,
      %parallel_loop3A_293 = arith.addf %parallel_loop3A_291, %parallel_loop3A_292 : vector<16xf32>
      %parallel_loop3A_294 = tpu.vector_load_idx %arg5[%broadcast_in_dim3A_29, %parallel_loop3A_77] : memref<10x1966xf32, #tpu.memory_space<vmem>>[vector<16xi32>, vector<16xi32>], vector<16xf32>,
      %parallel_loop3A_295 = arith.addf %parallel_loop3A_293, %parallel_loop3A_294 : vector<16xf32>
      %parallel_loop3A_296 = tpu.vector_load_idx %arg5[%broadcast_in_dim3A_29, %parallel_loop3A_81] : memref<10x1966xf32, #tpu.memory_space<vmem>>[vector<16xi32>, vector<16xi32>], vector<16xf32>,
      %parallel_loop3A_297 = arith.addf %parallel_loop3A_295, %parallel_loop3A_296 : vector<16xf32>
      %parallel_loop3A_298 = tpu.vector_load_idx %arg5[%broadcast_in_dim3A_29, %parallel_loop3A_85] : memref<10x1966xf32, #tpu.memory_space<vmem>>[vector<16xi32>, vector<16xi32>], vector<16xf32>,
      %parallel_loop3A_299 = arith.addf %parallel_loop3A_297, %parallel_loop3A_298 : vector<16xf32>
      %parallel_loop3A_300 = tpu.vector_load_idx %arg5[%broadcast_in_dim3A_29, %parallel_loop3A_89] : memref<10x1966xf32, #tpu.memory_space<vmem>>[vector<16xi32>, vector<16xi32>], vector<16xf32>,
      %parallel_loop3A_301 = arith.addf %parallel_loop3A_299, %parallel_loop3A_300 : vector<16xf32>
      %parallel_loop3A_302 = tpu.vector_load_idx %arg5[%broadcast_in_dim3A_29, %parallel_loop3A_93] : memref<10x1966xf32, #tpu.memory_space<vmem>>[vector<16xi32>, vector<16xi32>], vector<16xf32>,
      %parallel_loop3A_303 = arith.addf %parallel_loop3A_301, %parallel_loop3A_302 : vector<16xf32>
      tpu.vector_store_idx %arg7[%parallel_loop3A_46, %broadcast_in_dim3A_29], %parallel_loop3A_303 : memref<512x128xf32, #tpu.memory_space<vmem>>[vector<16xi32>, vector<16xi32>], vector<16xf32>,
    } {sc.loop_unroll_factor = 1 : i64, sc.parallel_access}
    %mul3A_32 = arith.constant 512 : i32
    %mul3A_33 = arith.muli %add3A, %mul3A_32 : i32
    %dma_start3A_34 = arith.constant 0 : i32
    %dma_start3A_35 = tpu.memref_slice %arg4[%mul3A_33, %dma_start3A_34] : memref<16384x128xf32, #tpu.memory_space<hbm>> -> memref<512x128xf32, #tpu.memory_space<hbm>>
    %dma_start3A_36 = arith.constant 0 : i32
    %dma_start3A_37 = tpu.memref_slice %arg4[%mul3A_33, %dma_start3A_36] : memref<16384x128xf32, #tpu.memory_space<hbm>> -> memref<512x128xf32, #tpu.memory_space<hbm>>
    tpu.enqueue_dma source(%arg7 : memref<512x128xf32, #tpu.memory_space<vmem>>) target(%dma_start3A_37 : memref<512x128xf32, #tpu.memory_space<hbm>>) target_semaphore(%arg8 : memref<!tpu.dma_semaphore, #tpu.memory_space<semaphore_mem>>)
    %dma_wait3A_38 = arith.constant 0 : i32
    %dma_wait3A_39 = tpu.memref_slice %arg4[%mul3A_33, %dma_wait3A_38] : memref<16384x128xf32, #tpu.memory_space<hbm>> -> memref<512x128xf32, #tpu.memory_space<hbm>>
    %dma_wait3A_40 = arith.constant 0 : i32
    %dma_wait3A_41 = tpu.memref_slice %arg4[%mul3A_33, %dma_wait3A_40] : memref<16384x128xf32, #tpu.memory_space<hbm>> -> memref<512x128xf32, #tpu.memory_space<hbm>>
    tpu.wait_dma2 semaphore(%arg8 : memref<!tpu.dma_semaphore, #tpu.memory_space<semaphore_mem>>) src(%arg7 : memref<512x128xf32, #tpu.memory_space<vmem>>) dst(%dma_wait3A_41 : memref<512x128xf32, #tpu.memory_space<hbm>>)
    return
  }
}

module attributes {stable_mosaic.version = 14 : i64} {
  func.func @_proj_body(%arg0: memref<355x16xf32, #tpu.memory_space<vmem>>, %arg1: memref<78x8xf32, #tpu.memory_space<vmem>>, %arg2: memref<530x10xf32, #tpu.memory_space<vmem>>, %arg3: memref<10x1966xf32, #tpu.memory_space<vmem>>) attributes {dimension_semantics = [], scalar_prefetch = 0 : i64, scratch_operands = 0 : i64, tpu.core_type = #tpu.core_type<tc>} {
    %get3A = arith.constant 0 : index
    %get3A_0 = arith.constant 0 : index
    %get3A_1 = vector.load %arg0[%get3A, %get3A_0] : memref<355x16xf32, #tpu.memory_space<vmem>>, vector<355x16xf32>
    %get3A_2 = arith.constant 0 : index
    %get3A_3 = arith.constant 0 : index
    %get3A_4 = vector.load %arg1[%get3A_2, %get3A_3] : memref<78x8xf32, #tpu.memory_space<vmem>>, vector<78x8xf32>
    %get3A_5 = arith.constant 410 : index
    %get3A_6 = arith.constant 0 : index
    %get3A_7 = vector.load %arg2[%get3A_5, %get3A_6] : memref<530x10xf32, #tpu.memory_space<vmem>>, vector<16x10xf32>
    %dot_general3A = arith.constant dense<0.000000e+00> : vector<10x355xf32>
    %dot_general3A_8 = tpu.matmul %get3A_7, %get3A_1, %dot_general3A {dimension_numbers = #tpu.dot_dimension_numbers<[0], [1], [1], [0], [0, 1, 1, 0], [], []>, transpose_lhs_hint = false} : vector<16x10xf32>, vector<355x16xf32>, vector<10x355xf32> -> vector<10x355xf32>
    %get3A_9 = arith.constant 426 : index
    %get3A_10 = arith.constant 0 : index
    %get3A_11 = vector.load %arg2[%get3A_9, %get3A_10] : memref<530x10xf32, #tpu.memory_space<vmem>>, vector<16x10xf32>
    %dot_general3A_12 = arith.constant dense<0.000000e+00> : vector<10x355xf32>
    %dot_general3A_13 = tpu.matmul %get3A_11, %get3A_1, %dot_general3A_12 {dimension_numbers = #tpu.dot_dimension_numbers<[0], [1], [1], [0], [0, 1, 1, 0], [], []>, transpose_lhs_hint = false} : vector<16x10xf32>, vector<355x16xf32>, vector<10x355xf32> -> vector<10x355xf32>
    %get3A_14 = arith.constant 442 : index
    %get3A_15 = arith.constant 0 : index
    %get3A_16 = vector.load %arg2[%get3A_14, %get3A_15] : memref<530x10xf32, #tpu.memory_space<vmem>>, vector<16x10xf32>
    %dot_general3A_17 = arith.constant dense<0.000000e+00> : vector<10x355xf32>
    %dot_general3A_18 = tpu.matmul %get3A_16, %get3A_1, %dot_general3A_17 {dimension_numbers = #tpu.dot_dimension_numbers<[0], [1], [1], [0], [0, 1, 1, 0], [], []>, transpose_lhs_hint = false} : vector<16x10xf32>, vector<355x16xf32>, vector<10x355xf32> -> vector<10x355xf32>
    %get3A_19 = arith.constant 458 : index
    %get3A_20 = arith.constant 0 : index
    %get3A_21 = vector.load %arg2[%get3A_19, %get3A_20] : memref<530x10xf32, #tpu.memory_space<vmem>>, vector<16x10xf32>
    %dot_general3A_22 = arith.constant dense<0.000000e+00> : vector<10x355xf32>
    %dot_general3A_23 = tpu.matmul %get3A_21, %get3A_1, %dot_general3A_22 {dimension_numbers = #tpu.dot_dimension_numbers<[0], [1], [1], [0], [0, 1, 1, 0], [], []>, transpose_lhs_hint = false} : vector<16x10xf32>, vector<355x16xf32>, vector<10x355xf32> -> vector<10x355xf32>
    %get3A_24 = arith.constant 474 : index
    %get3A_25 = arith.constant 0 : index
    %get3A_26 = vector.load %arg2[%get3A_24, %get3A_25] : memref<530x10xf32, #tpu.memory_space<vmem>>, vector<8x10xf32>
    %dot_general3A_27 = arith.constant dense<0.000000e+00> : vector<10x78xf32>
    %dot_general3A_28 = tpu.matmul %get3A_26, %get3A_4, %dot_general3A_27 {dimension_numbers = #tpu.dot_dimension_numbers<[0], [1], [1], [0], [0, 1, 1, 0], [], []>, transpose_lhs_hint = false} : vector<8x10xf32>, vector<78x8xf32>, vector<10x78xf32> -> vector<10x78xf32>
    %get3A_29 = arith.constant 482 : index
    %get3A_30 = arith.constant 0 : index
    %get3A_31 = vector.load %arg2[%get3A_29, %get3A_30] : memref<530x10xf32, #tpu.memory_space<vmem>>, vector<8x10xf32>
    %dot_general3A_32 = arith.constant dense<0.000000e+00> : vector<10x78xf32>
    %dot_general3A_33 = tpu.matmul %get3A_31, %get3A_4, %dot_general3A_32 {dimension_numbers = #tpu.dot_dimension_numbers<[0], [1], [1], [0], [0, 1, 1, 0], [], []>, transpose_lhs_hint = false} : vector<8x10xf32>, vector<78x8xf32>, vector<10x78xf32> -> vector<10x78xf32>
    %get3A_34 = arith.constant 490 : index
    %get3A_35 = arith.constant 0 : index
    %get3A_36 = vector.load %arg2[%get3A_34, %get3A_35] : memref<530x10xf32, #tpu.memory_space<vmem>>, vector<8x10xf32>
    %dot_general3A_37 = arith.constant dense<0.000000e+00> : vector<10x78xf32>
    %dot_general3A_38 = tpu.matmul %get3A_36, %get3A_4, %dot_general3A_37 {dimension_numbers = #tpu.dot_dimension_numbers<[0], [1], [1], [0], [0, 1, 1, 0], [], []>, transpose_lhs_hint = false} : vector<8x10xf32>, vector<78x8xf32>, vector<10x78xf32> -> vector<10x78xf32>
    %get3A_39 = arith.constant 498 : index
    %get3A_40 = arith.constant 0 : index
    %get3A_41 = vector.load %arg2[%get3A_39, %get3A_40] : memref<530x10xf32, #tpu.memory_space<vmem>>, vector<8x10xf32>
    %dot_general3A_42 = arith.constant dense<0.000000e+00> : vector<10x78xf32>
    %dot_general3A_43 = tpu.matmul %get3A_41, %get3A_4, %dot_general3A_42 {dimension_numbers = #tpu.dot_dimension_numbers<[0], [1], [1], [0], [0, 1, 1, 0], [], []>, transpose_lhs_hint = false} : vector<8x10xf32>, vector<78x8xf32>, vector<10x78xf32> -> vector<10x78xf32>
    %get3A_44 = arith.constant 506 : index
    %get3A_45 = arith.constant 0 : index
    %get3A_46 = vector.load %arg2[%get3A_44, %get3A_45] : memref<530x10xf32, #tpu.memory_space<vmem>>, vector<8x10xf32>
    %dot_general3A_47 = arith.constant dense<0.000000e+00> : vector<10x78xf32>
    %dot_general3A_48 = tpu.matmul %get3A_46, %get3A_4, %dot_general3A_47 {dimension_numbers = #tpu.dot_dimension_numbers<[0], [1], [1], [0], [0, 1, 1, 0], [], []>, transpose_lhs_hint = false} : vector<8x10xf32>, vector<78x8xf32>, vector<10x78xf32> -> vector<10x78xf32>
    %get3A_49 = arith.constant 514 : index
    %get3A_50 = arith.constant 0 : index
    %get3A_51 = vector.load %arg2[%get3A_49, %get3A_50] : memref<530x10xf32, #tpu.memory_space<vmem>>, vector<8x10xf32>
    %dot_general3A_52 = arith.constant dense<0.000000e+00> : vector<10x78xf32>
    %dot_general3A_53 = tpu.matmul %get3A_51, %get3A_4, %dot_general3A_52 {dimension_numbers = #tpu.dot_dimension_numbers<[0], [1], [1], [0], [0, 1, 1, 0], [], []>, transpose_lhs_hint = false} : vector<8x10xf32>, vector<78x8xf32>, vector<10x78xf32> -> vector<10x78xf32>
    %get3A_54 = arith.constant 522 : index
    %get3A_55 = arith.constant 0 : index
    %get3A_56 = vector.load %arg2[%get3A_54, %get3A_55] : memref<530x10xf32, #tpu.memory_space<vmem>>, vector<8x10xf32>
    %dot_general3A_57 = arith.constant dense<0.000000e+00> : vector<10x78xf32>
    %dot_general3A_58 = tpu.matmul %get3A_56, %get3A_4, %dot_general3A_57 {dimension_numbers = #tpu.dot_dimension_numbers<[0], [1], [1], [0], [0, 1, 1, 0], [], []>, transpose_lhs_hint = false} : vector<8x10xf32>, vector<78x8xf32>, vector<10x78xf32> -> vector<10x78xf32>
    %concatenate3A = tpu.concatenate %dot_general3A_8, %dot_general3A_13, %dot_general3A_18, %dot_general3A_23, %dot_general3A_28, %dot_general3A_33, %dot_general3A_38, %dot_general3A_43, %dot_general3A_48, %dot_general3A_53, %dot_general3A_58 in 1 : vector<10x355xf32>, vector<10x355xf32>, vector<10x355xf32>, vector<10x355xf32>, vector<10x78xf32>, vector<10x78xf32>, vector<10x78xf32>, vector<10x78xf32>, vector<10x78xf32>, vector<10x78xf32>, vector<10x78xf32> -> vector<10x1966xf32>
    %swap3A = arith.constant 0 : index
    %swap3A_59 = arith.constant 0 : index
    %swap3A_60 = vector.load %arg3[%swap3A, %swap3A_59] : memref<10x1966xf32, #tpu.memory_space<vmem>>, vector<10x1966xf32>
    tpu.vector_store %arg3[%swap3A, %swap3A_59], %concatenate3A {strides = array<i32>} : memref<10x1966xf32, #tpu.memory_space<vmem>>, vector<10x1966xf32>,
    return
  }
}

module attributes {stable_mosaic.version = 14 : i64} {
  func.func @_mega_body(%arg0: i32, %arg1: memref<4096x410xf32, #tpu.memory_space<vmem>>, %arg2: memref<4096x128xf32, #tpu.memory_space<vmem>>, %arg3: memref<410x10xf32, #tpu.memory_space<vmem>>, %arg4: memref<1x10xf32, #tpu.memory_space<vmem>>, %arg5: memref<10x12xf32, #tpu.memory_space<vmem>>, %arg6: memref<1x12xf32, #tpu.memory_space<vmem>>, %arg7: memref<12x9xf32, #tpu.memory_space<vmem>>, %arg8: memref<1x9xf32, #tpu.memory_space<vmem>>, %arg9: memref<4096x9xf32, #tpu.memory_space<vmem>>) attributes {dimension_semantics = [#tpu.dimension_semantics<arbitrary>], iteration_bounds = array<i64: 4>, scalar_prefetch = 0 : i64, scratch_operands = 0 : i64, tpu.core_type = #tpu.core_type<tc>, window_params = [{transform_indices = @transform_0, window_bounds = array<i64: 4096, 410>}, {transform_indices = @transform_1, window_bounds = array<i64: 4096, 128>}, {pipeline_mode = #tpu.pipeline_mode<synchronous>, transform_indices = @transform_2, window_bounds = array<i64: 410, 10>}, {pipeline_mode = #tpu.pipeline_mode<synchronous>, transform_indices = @transform_3, window_bounds = array<i64: 1, 10>}, {pipeline_mode = #tpu.pipeline_mode<synchronous>, transform_indices = @transform_4, window_bounds = array<i64: 10, 12>}, {pipeline_mode = #tpu.pipeline_mode<synchronous>, transform_indices = @transform_5, window_bounds = array<i64: 1, 12>}, {pipeline_mode = #tpu.pipeline_mode<synchronous>, transform_indices = @transform_6, window_bounds = array<i64: 12, 9>}, {pipeline_mode = #tpu.pipeline_mode<synchronous>, transform_indices = @transform_7, window_bounds = array<i64: 1, 9>}, {transform_indices = @transform_8, window_bounds = array<i64: 4096, 9>}]} {
    %get3A = arith.constant 0 : index
    %get3A_0 = arith.constant 0 : index
    %get3A_1 = vector.load %arg1[%get3A, %get3A_0] : memref<4096x410xf32, #tpu.memory_space<vmem>>, vector<4096x410xf32>
    %get3A_2 = arith.constant 0 : index
    %get3A_3 = arith.constant 0 : index
    %get3A_4 = vector.load %arg3[%get3A_2, %get3A_3] : memref<410x10xf32, #tpu.memory_space<vmem>>, vector<410x10xf32>
    %dot_general3A = arith.constant dense<0.000000e+00> : vector<4096x10xf32>
    %dot_general3A_5 = tpu.matmul %get3A_1, %get3A_4, %dot_general3A {dimension_numbers = #tpu.dot_dimension_numbers<[1], [0], [0], [1], [0, 0, 1, 1], [], []>, transpose_lhs_hint = false} : vector<4096x410xf32>, vector<410x10xf32>, vector<4096x10xf32> -> vector<4096x10xf32>
    %get3A_6 = arith.constant 0 : index
    %get3A_7 = arith.constant 0 : index
    %get3A_8 = vector.load %arg2[%get3A_6, %get3A_7] : memref<4096x128xf32, #tpu.memory_space<vmem>>, vector<4096x128xf32>
    %slice3A = vector.extract_strided_slice %get3A_8 {offsets = [0, 0], sizes = [4096, 10], strides = [1, 1]} : vector<4096x128xf32> to vector<4096x10xf32>
    %add3A = arith.addf %dot_general3A_5, %slice3A : vector<4096x10xf32>
    %get3A_9 = arith.constant 0 : index
    %get3A_10 = arith.constant 0 : index
    %get3A_11 = vector.load %arg4[%get3A_9, %get3A_10] : memref<1x10xf32, #tpu.memory_space<vmem>>, vector<1x10xf32>
    %add3A_12 = vector.broadcast %get3A_11 : vector<1x10xf32> to vector<4096x10xf32>
    %add3A_13 = arith.addf %add3A, %add3A_12 : vector<4096x10xf32>
    %max3A = arith.constant 0.000000e+00 : f32
    %max3A_14 = vector.broadcast %max3A : f32 to vector<4096x10xf32>
    %max3A_15 = arith.maximumf %add3A_13, %max3A_14 : vector<4096x10xf32>
    %get3A_16 = arith.constant 0 : index
    %get3A_17 = arith.constant 0 : index
    %get3A_18 = vector.load %arg5[%get3A_16, %get3A_17] : memref<10x12xf32, #tpu.memory_space<vmem>>, vector<10x12xf32>
    %dot_general3A_19 = arith.constant dense<0.000000e+00> : vector<4096x12xf32>
    %dot_general3A_20 = tpu.matmul %max3A_15, %get3A_18, %dot_general3A_19 {dimension_numbers = #tpu.dot_dimension_numbers<[1], [0], [0], [1], [0, 0, 1, 1], [], []>, transpose_lhs_hint = false} : vector<4096x10xf32>, vector<10x12xf32>, vector<4096x12xf32> -> vector<4096x12xf32>
    %get3A_21 = arith.constant 0 : index
    %get3A_22 = arith.constant 0 : index
    %get3A_23 = vector.load %arg6[%get3A_21, %get3A_22] : memref<1x12xf32, #tpu.memory_space<vmem>>, vector<1x12xf32>
    %add3A_24 = vector.broadcast %get3A_23 : vector<1x12xf32> to vector<4096x12xf32>
    %add3A_25 = arith.addf %dot_general3A_20, %add3A_24 : vector<4096x12xf32>
    %max3A_26 = arith.constant 0.000000e+00 : f32
    %max3A_27 = vector.broadcast %max3A_26 : f32 to vector<4096x12xf32>
    %max3A_28 = arith.maximumf %add3A_25, %max3A_27 : vector<4096x12xf32>
    %get3A_29 = arith.constant 0 : index
    %get3A_30 = arith.constant 0 : index
    %get3A_31 = vector.load %arg7[%get3A_29, %get3A_30] : memref<12x9xf32, #tpu.memory_space<vmem>>, vector<12x9xf32>
    %dot_general3A_32 = arith.constant dense<0.000000e+00> : vector<4096x9xf32>
    %dot_general3A_33 = tpu.matmul %max3A_28, %get3A_31, %dot_general3A_32 {dimension_numbers = #tpu.dot_dimension_numbers<[1], [0], [0], [1], [0, 0, 1, 1], [], []>, transpose_lhs_hint = false} : vector<4096x12xf32>, vector<12x9xf32>, vector<4096x9xf32> -> vector<4096x9xf32>
    %get3A_34 = arith.constant 0 : index
    %get3A_35 = arith.constant 0 : index
    %get3A_36 = vector.load %arg8[%get3A_34, %get3A_35] : memref<1x9xf32, #tpu.memory_space<vmem>>, vector<1x9xf32>
    %add3A_37 = vector.broadcast %get3A_36 : vector<1x9xf32> to vector<4096x9xf32>
    %add3A_38 = arith.addf %dot_general3A_33, %add3A_37 : vector<4096x9xf32>
    %swap3A = arith.constant 0 : index
    %swap3A_39 = arith.constant 0 : index
    %swap3A_40 = vector.load %arg9[%swap3A, %swap3A_39] : memref<4096x9xf32, #tpu.memory_space<vmem>>, vector<4096x9xf32>
    tpu.vector_store %arg9[%swap3A, %swap3A_39], %add3A_38 {strides = array<i32>} : memref<4096x9xf32, #tpu.memory_space<vmem>>, vector<4096x9xf32>,
    return
  }
  func.func @transform_0(%arg0: i32) -> (i32, i32) {
    %c0_i32 = arith.constant 0 : i32
    %c0_i32_0 = arith.constant 0 : i32
    return %arg0, %c0_i32 : i32, i32
  }
  func.func @transform_1(%arg0: i32) -> (i32, i32) {
    %c0_i32 = arith.constant 0 : i32
    %c0_i32_0 = arith.constant 0 : i32
    return %arg0, %c0_i32 : i32, i32
  }
  func.func @transform_2(%arg0: i32) -> (i32, i32) {
    %c0_i32 = arith.constant 0 : i32
    %c0_i32_0 = arith.constant 0 : i32
    %c0_i32_1 = arith.constant 0 : i32
    return %c0_i32, %c0_i32_0 : i32, i32
  }
  func.func @transform_3(%arg0: i32) -> (i32, i32) {
    %c0_i32 = arith.constant 0 : i32
    %c0_i32_0 = arith.constant 0 : i32
    %c0_i32_1 = arith.constant 0 : i32
    return %c0_i32, %c0_i32_0 : i32, i32
  }
  func.func @transform_4(%arg0: i32) -> (i32, i32) {
    %c0_i32 = arith.constant 0 : i32
    %c0_i32_0 = arith.constant 0 : i32
    %c0_i32_1 = arith.constant 0 : i32
    return %c0_i32, %c0_i32_0 : i32, i32
  }
  func.func @transform_5(%arg0: i32) -> (i32, i32) {
    %c0_i32 = arith.constant 0 : i32
    %c0_i32_0 = arith.constant 0 : i32
    %c0_i32_1 = arith.constant 0 : i32
    return %c0_i32, %c0_i32_0 : i32, i32
  }
  func.func @transform_6(%arg0: i32) -> (i32, i32) {
    %c0_i32 = arith.constant 0 : i32
    %c0_i32_0 = arith.constant 0 : i32
    %c0_i32_1 = arith.constant 0 : i32
    return %c0_i32, %c0_i32_0 : i32, i32
  }
  func.func @transform_7(%arg0: i32) -> (i32, i32) {
    %c0_i32 = arith.constant 0 : i32
    %c0_i32_0 = arith.constant 0 : i32
    %c0_i32_1 = arith.constant 0 : i32
    return %c0_i32, %c0_i32_0 : i32, i32
  }
  func.func @transform_8(%arg0: i32) -> (i32, i32) {
    %c0_i32 = arith.constant 0 : i32
    %c0_i32_0 = arith.constant 0 : i32
    return %arg0, %c0_i32 : i32, i32
  }
}

</mosaic_0001>

<sc_bundles>
// kernel: kernel.5.cloned.1.call-start
scs
__scs_entry_jumppad:
0x0: {  	(pc) =	sbr.rel $0x88, $3  }
0x1: {  	(tag) =	ssettag $0x0;
	lr =	simm.s32 $0x1  }
0x2: {  	[smem:$0x3F96] =	sst lr;
	_ =	strace $0xD0000000  }
0x3: {  	_ = 	snop  }
0x4: {  	_ = 	snop  }
0x5: {  	_ = 	snop  }
0x6: {  	_ = 	snop  }
0x7: {  	_ = 	snop  }
__scs_overlays_trampoline_lowered:
0x8: {  	[smem:$0x3FA5] =	sst s0  }
0x9: {  	[smem:$0x3FA6] =	sst s1  }
0xa: {  	[smem:$0x3FA7] =	sst s2  }
0xb: {  	[smem:$0x3FA8] =	sst s3  }
0xc: {  	[smem:$0x3FA9] =	sst s4  }
0xd: {  	[smem:$0x3FAA] =	sst s5  }
0xe: {  	[smem:$0x3FAB] =	sst s6  }
0xf: {  	[smem:$0x3FAC] =	sst s7  }
0x10: {  	[smem:$0x3FAD] =	sst s8  }
0x11: {  	[smem:$0x3FAE] =	sst s9;
	s0 =	simm.s32 @!p0 $0x0  }
0x12: {  	s1 =	sld [smem:$0x3F94];
	s0 =	simm.s32 @p0 $0x1  }
0x13: {  	[smem:$0x3FAF] =	sst s0;
	s0 =	simm.s32 @!p1 $0x0  }
0x14: {  	s2 =	sld [smem:$0x3F93];
	s0 =	simm.s32 @p1 $0x1  }
0x15: {  	[smem:$0x3FB0] =	sst s0;
	s0 =	simm.s32 @!p2 $0x0  }
0x16: {  	s3 =	sld [smem:$0x3FDB];
	s0 =	simm.s32 @p2 $0x1  }
0x17: {  	s4 =	simm.s32 $0x1BF5;
	[smem:$0x3FB2] =	sst s0  }
0x18: {  	s0 =	sld [smem:$0x3F95];
	_ =	swait.ge [sflag:s4], $0x0  }
0x19: {  	s7 =	sld [smem:$0x3F96]  }
0x1a: {  	s8 =	sadd.s32 $0xFFFFE003, lr  }
0x1b: {  	s9 =	sadd.s32 $0xFFFFFEF7, lr;
	s5 =	simm.s32 $0xFFFFFFFF;
	p2 =	slt.u32 s8, $0xFFFFF086  }
0x1c: {  	p1 =	slt.u32 s9, $0xF7A;
	s5 =	simm.s32 @!p2 $0x0  }
0x1d: {  	s5 =	simm.s32 @p1 $0x1;
	p0 =	seq.s32 s7, s2  }
0x1e: {  	s7 =	smul.u32 @!p0 $0xF7A, s2;
	p2 =	seq.s32 @!p0 s5, $0x0  }
0x1f: {  	s9 =	smul.u32 $0xF7A, s1;
	s8 =	simm.s32 @!p0 $0x1BF5;
	p2 =	por !p2, p0  }
0x20: {  	[sflag:s8] =	ssyncset.s32 @!p0 $0xFFFFF086;
	s6 =	sadd.s32 @!p0 s3, s7;
	s7 =	simm.s32 @!p0 $0x108  }
0x21: {  	s3 =	sadd.s32 s3, s9;
	s6 =	sadd.s32 @!p0 $0x88, s6;
	s7 =	simm.s32 @p2 $0x1082  }
0x22: {  	[simem:s7], [sflag:s8] =	dma.local @!p0 [hbm:s6], $0xF7A  }
0x23: {  	s9 =	sor.u32 $0xD0000000, s2;
	s6 =	simm.s32 $0x108;
	_ =	swait.ge @!p0 [sflag:s8], $0x0  }
0x24: {  	s3 =	sadd.s32 $0x88, s3;
	s6 =	simm.s32 @!p1 $0x1082;
	[sflag:s4] =	ssyncset.s32 $0xFFFFF086  }
0x25: {  	[simem:s6], [sflag:s4] =	dma.local [hbm:s3], $0xF7A  }
0x26: {  	[smem:$0x3F96] =	sst s1;
	(tag) =	ssettag s2;
	_ =	strace s9  }
0x27: {  	s1 =	sld [smem:$0x3FA6]  }
0x28: {  	s2 =	sld [smem:$0x3FA7]  }
0x29: {  	s4 =	sld [smem:$0x3FA9]  }
0x2a: {  	p0 =	seq.s32 s5, $0x0;
	s5 =	sld [smem:$0x3FAA]  }
0x2b: {  	s6 =	sld [smem:$0x3FAB]  }
0x2c: {  	s7 =	sld [smem:$0x3FAC]  }
0x2d: {  	s3 =	simm.s32 $0x108;
	s8 =	sld [smem:$0x3FAD]  }
0x2e: {  	s3 =	simm.s32 @!p0 $0x1082;
	s9 =	sld [smem:$0x3FAE]  }
0x2f: {  	lr =	sadd.s32 s0, s3;
	s0 =	sld [smem:$0x3FA5]  }
0x30: {  	s3 =	sld [smem:$0x3FA8]  }
0x31: {  	[smem:$0x3FB1] =	sst s10  }
0x32: {  	s10 =	sld [smem:$0x3FAF];
	_ =	sdelay $0x3  }
0x33: {  	p0 =	seq.s32 s10, $0x1;
	s10 =	sld [smem:$0x3FB1];
	_ =	sdelay $0x3  }
0x34: {  	[smem:$0x3FB1] =	sst s10  }
0x35: {  	s10 =	sld [smem:$0x3FB0];
	_ =	sdelay $0x3  }
0x36: {  	p1 =	seq.s32 s10, $0x1;
	s10 =	sld [smem:$0x3FB1];
	_ =	sdelay $0x3  }
0x37: {  	[smem:$0x3FB1] =	sst s10  }
0x38: {  	s10 =	sld [smem:$0x3FB2]  }
0x39: {  	_ = 	snop;
	(pc) =	sbr.ind lr, $3  }
0x3a: {  	_ = 	snop  }
0x3b: {  	_ = 	snop  }
0x3c: {  	p2 =	seq.s32 s10, $0x1;
	s10 =	sld [smem:$0x3FB1]  }
0x3d: {  	_ =	shalt  }
0x3e: {  	_ =	shalt  }
0x3f: {  	_ =	shalt  }
0x40: {  	_ =	shalt  }
0x41: {  	_ =	shalt  }
0x42: {  	_ =	shalt  }
0x43: {  	_ =	shalt  }
0x44: {  	_ =	shalt  }
0x45: {  	_ =	shalt  }
0x46: {  	_ =	shalt  }
0x47: {  	_ =	shalt  }
0x48: {  	_ =	shalt  }
0x49: {  	_ =	shalt  }
0x4a: {  	_ =	shalt  }
0x4b: {  	_ =	shalt  }
0x4c: {  	_ =	shalt  }
0x4d: {  	_ =	shalt  }
0x4e: {  	_ =	shalt  }
0x4f: {  	_ =	shalt  }
0x50: {  	_ =	shalt  }
0x51: {  	_ =	shalt  }
0x52: {  	_ =	shalt  }
0x53: {  	_ =	shalt  }
0x54: {  	_ =	shalt  }
0x55: {  	_ =	shalt  }
0x56: {  	_ =	shalt  }
0x57: {  	_ =	shalt  }
0x58: {  	_ =	shalt  }
0x59: {  	_ =	shalt  }
0x5a: {  	_ =	shalt  }
0x5b: {  	_ =	shalt  }
0x5c: {  	_ =	shalt  }
0x5d: {  	_ =	shalt  }
0x5e: {  	_ =	shalt  }
0x5f: {  	_ =	shalt  }
0x60: {  	_ =	shalt  }
0x61: {  	_ =	shalt  }
0x62: {  	_ =	shalt  }
0x63: {  	_ =	shalt  }
0x64: {  	_ =	shalt  }
0x65: {  	_ =	shalt  }
0x66: {  	_ =	shalt  }
0x67: {  	_ =	shalt  }
0x68: {  	_ =	shalt  }
0x69: {  	_ =	shalt  }
0x6a: {  	_ =	shalt  }
0x6b: {  	_ =	shalt  }
0x6c: {  	_ =	shalt  }
0x6d: {  	_ =	shalt  }
0x6e: {  	_ =	shalt  }
0x6f: {  	_ =	shalt  }
0x70: {  	_ =	shalt  }
0x71: {  	_ =	shalt  }
0x72: {  	_ =	shalt  }
0x73: {  	_ =	shalt  }
0x74: {  	_ =	shalt  }
0x75: {  	_ =	shalt  }
0x76: {  	_ =	shalt  }
0x77: {  	_ =	shalt  }
0x78: {  	_ =	shalt  }
0x79: {  	_ =	shalt  }
0x7a: {  	_ =	shalt  }
0x7b: {  	_ =	shalt  }
0x7c: {  	_ =	shalt  }
0x7d: {  	_ =	shalt  }
0x7e: {  	_ =	shalt  }
0x7f: {  	_ =	shalt  }
0x80: {  	_ =	shalt  }
0x81: {  	_ =	shalt  }
0x82: {  	_ =	shalt  }
0x83: {  	_ =	shalt  }
0x84: {  	_ =	shalt  }
0x85: {  	_ =	shalt  }
0x86: {  	_ =	shalt  }
0x87: {  	_ =	shalt  }
.Lfunc_end0:
.L_simem_size_0:
called_computation_lowered:
.L_overlay_start_0:
0x88: {  	s2 =	sld [smem:$0x3FD9]  }
0x89: {  	s3 =	sld [smem:$0x3FFE];
	_ =	sdelay $0x1  }
0x8a: {  	s1 =	srdreg.scid  }
0x8b: {  	s0 =	sand.u32 $0x1, s1  }
0x8c: {  	s17 =	sshll.u32 s0, $0xA;
	s2 =	sadd.s32 s3, s2  }
0x8d: {  	s2 =	sadd.s32 s2, s17  }
0x8e: {  	[smem:$0x3FBD] =	sst s2  }
0x8f: {  	_ = 	snop  }
0x90: {  	s2 =	sld [smem:$0x3FD0];
	(tm) =	ssettm $0x1  }
0x91: {  	s18 =	sld [smem:$0x3FFB];
	_ =	sdelay $0x3  }
0x92: {  	_ =	strace s18  }
0x93: {  	s3 =	sld [smem:$0x3FFC];
	_ =	sdelay $0x3  }
0x94: {  	_ =	strace s3  }
0x95: {  	s3 =	sld [smem:$0x3FFD];
	_ =	sdelay $0x3  }
0x96: {  	_ =	strace s3  }
0x97: {  	_ =	strace $0x8FFFFFFF  }
0x98: {  	s19 =	sld [smem:$0x3FDB];
	_ =	sdelay $0x1  }
0x99: {  	s4 =	simm.s32 $_scs_section_size  }
0x9a: {  	s5 =	simm.s32 $_size__tile_overlayer_lowered;
	s6 =	simm.s32 $_tile_overlayer_lowered  }
0x9b: {  	s22 =	simm.s32 $0x1BFF;
	s21 =	sshll.u32 s6, $0x1;
	s3 =	sadd.s32 s4, s19  }
0x9c: {  	s7 =	simm.s32 $0x0;
	s20 =	sshll.u32 s5, $0x1;
	s5 =	sadd.s32 s21, s3  }
0x9d: {  	[timem:s7], [sflag:s22] =	dma.local [hbm:s5], s20  }
0x9e: {  	_ =	swait.ge [sflag:s22], s20  }
0x9f: {  	s4 =	ssub.s32 $0x0, s20;
	[sflag:s22] =	ssyncset.done $0x0  }
0xa0: {  	[sflag:s22] =	ssyncadd.s32 s4;
	_ =	sdelay $0x1  }
0xa1: {  	s23 =	simm.s32 $0x1B8B  }
0xa2: {  	_ =	swait.ge [sflag:s23], $0x1  }
0xa3: {  	[sflag:s23] =	ssyncset.done $0x0  }
0xa4: {  	s25 =	simm.s32 $0x1B8E;
	s24 =	sld [smem:$0x3FFE];
	[sflag:s23] =	ssyncadd.s32 $0xFFFFFFFF  }
0xa5: {  	s26 =	simm.s32 $execute0_lowered;
	[smem:$0x3FD2] =	sst s25  }
0xa6: {  	s5 =	sshll.u32 s26, $0x1;
	_ =	strace $0x80000046;
	[dreg:$0x1] =	wrdreg $0xFFFFFFFF  }
0xa7: {  	s28 =	simm.s32 $_size_execute0_lowered;
	s3 =	sadd.s32 s3, s5;
	[dreg:$0x0] =	wrdreg $0x0  }
0xa8: {  	s5 =	sshll.u32 s28, $0x1;
	[dreg:$0x2] =	wrdreg s3  }
0xa9: {  	[dreg:$0x3] =	wrdreg s5  }
0xaa: {  	[dreg:$0x4] =	wrdreg $0xC0  }
0xab: {  	_ =	task [dreg:s7], $0x5FFFF  }
0xac: {  	[dreg:$0x1] =	wrdreg $0xFFFFFFFF  }
0xad: {  	[dreg:$0x0] =	wrdreg $0x60  }
0xae: {  	[dreg:$0x2] =	wrdreg s24  }
0xaf: {  	[dreg:$0x3] =	wrdreg s2  }
0xb0: {  	[dreg:$0x4] =	wrdreg $0x9  }
0xb1: {  	_ =	task.clear_ibuf [dreg:s7], $0x5FFFF;
	_ =	strace $0x90000046  }
0xb2: {  	s29 =	simm.s32 $0x9;
	_ =	strace $0x80000048  }
0xb3: {  	_ =	swait.ge [sflag:s29], $0x1  }
0xb4: {  	[sflag:s29] =	ssyncadd.s32 $0xFFFFFFFF  }
0xb5: {  	_ =	strace $0x90000048  }
0xb6: {  	_ =	sfence  }
0xb7: {  	s30 =	sld [smem:$0x0];
	_ =	sdelay $0x2  }
0xb8: {  	s31 =	sshll.u32 s1, $0xD;
	s1 =	sshrl.u32 s1, $0x2  }
0xb9: {  	s3 =	sand.u32 $0x4000, s31;
	s1 =	sadd.s32 s1, s30  }
0xba: {  	s0 =	sor.u32 s3, s0;
	s1 =	sshll.u32 s1, $0x11  }
0xbb: {  	s0 =	sor.u32 s1, s0  }
0xbc: {  	s0 =	sadd.s32 $0x8F2B, s0  }
0xbd: {  	[sflag:s0] =	ssyncadd.remote.s32 $0x1  }
0xbe: {  	_ =	sfence.sel $0xFFFF  }
0xbf: {  	[dreg:$0x0] =	wrdreg $0xFFFFFFFF;
	(pc) =	sbr.abs _section_cstart, $3  }
0xc0: {  	[dreg:$0x1] =	wrdreg $0xFFFFFFFF  }
0xc1: {  	_ =	task.clear_ibuf [dreg:s7], $0x2FFFF;
	_ =	strace $0x9FFFFFFF  }
0xc2: {  	(tm) =	ssettm $0x7FFFFFFF  }
0xc3: {  	_ =	shalt  }
tec
execute0_lowered:
.L_overlay_start_1:
0x0: {  	(tag) =	ssettag $0x1  }
0x1: {  	s4 =	rddreg [dreg:$0x0]  }
0x2: {  	s5 =	rddreg [dreg:$0x1]  }
0x3: {  	s0 =	rddreg [dreg:$0x2];
	s2 =	simm.s32 $0x0;
	s3 =	srdreg.scid  }
0x4: {  	s1 =	stileid.u32;
	s9 =	simm.s32 $0x2;
	s10 =	simm.s32 $0x62E0  }
0x5: {  	[smem:$0x7FF] =	sst s2;
	s3 =	sand.u32 $0x1, s3;
	s6 =	sshll.u32 s1, $0x1  }
0x6: {  	s11 =	simm.s32 $0x0;
	_ =	strace $0x80000047;
	s6 =	sor.u32 s3, s6  }
0x7: {  	s8 =	ssub.s32 $0x2, s3;
	s7 =	sshll.u32 s6, $0xD;
	s6 =	smul.u32 $0x2C0, s6  }
0x8: {  	s3 =	sadd.s32 $0x2C00, s4;
	s31 =	sshrl.u32 s8, $0x1;
	s7 =	sadd.s32 s7, s4  }
0x9: {  	s8 =	ssub.s32 s8, s31;
	s4 =	sadd.s32 s5, s6;
	s5 =	sadd.s32 $0x3600, s7  }
0xa: {  	v0 =	vlaneseq.u32;
	s6 =	smax.u32 s8, $0x1;
	s7 =	simm.s32 $0x4CE0;
	s8 =	simm.s32 $0x1  }
.LBB2_1:
0xb: {  	[tilespmem:s2], [sflag:$0x1] =	stream.linear.gather [hbm4b:s3+s2], $0x4CE0, $0x38;
	[tilespmem:$0x162E0] =	vst v63  }
0xc: {  	_ = 	snop  }
0xd: {  	v1 =	vor.u32 s2, v0;
	[tilespmem:s7], [sflag:$0x2] =	stream.linear.gather [hbm4b:s4+s2], $0x1600, $0x38;
	[tilespmem:$0x162E0] =	vst v63  }
0xe: {  	v3 =	vmul.u32 $0xB, v1;
	_ =	swait.ge [sflag:s8], $0x4CE0  }
0xf: {  	[sflag:s8] =	ssyncset.done $0x0  }
0x10: {  	v2 =	vadd.s32 $0x1, v3;
	[sflag:s8] =	ssyncadd.s32 $0xFFFFB320  }
0x11: {  	_ =	swait.ge [sflag:s9], $0x1600  }
0x12: {  	v4 =	vadd.s32 $0x2, v3;
	[sflag:s9] =	ssyncset.done $0x0  }
0x13: {  	[sflag:s9] =	ssyncadd.s32 $0xFFFFEA00  }
0x14: {  	v5 =	vadd.s32 $0x3, v3;
	v15 =	vld.idx.msk [tilespmem:v3+s7+$0x0], $0xffff  }
0x15: {  	v6 =	vadd.s32 $0x5, v3;
	v13 =	vld.idx.msk [tilespmem:v2+s7+$0x0], $0xffff  }
0x16: {  	v7 =	vadd.s32 $0x4, v3  }
0x17: {  	v12 =	vld.idx.msk [tilespmem:v4+s7+$0x0], $0xffff;
	_ =	sdelay $0x1  }
0x18: {  	v4 =	vadd.s32 $0x6, v3;
	v11 =	vld.idx.msk [tilespmem:v5+s7+$0x0], $0xffff  }
0x19: {  	v2 =	vld.idx.msk [tilespmem:v6+s7+$0x0], $0xffff  }
0x1a: {  	v5 =	vadd.s32 $0x7, v3;
	v10 =	vld.idx.msk [tilespmem:v7+s7+$0x0], $0xffff  }
0x1b: {  	v6 =	vand.u32 $0x1FFF, v3;
	v8 =	vld.idx.msk [tilespmem:v15+s2+$0x0], $0xffff  }
0x1c: {  	v6 =	vadd.s32 $0x8, v6;
	v9 =	vld.idx.msk [tilespmem:v13+s2+$0x0], $0xffff  }
0x1d: {  	v4 =	vld.idx.msk [tilespmem:v4+s7+$0x0], $0xffff  }
0x1e: {  	v14 =	vadd.s32 $0x9, v3;
	v16 =	vld.idx.msk [tilespmem:v12+s2+$0x0], $0xffff  }
0x1f: {  	v7 =	vld.idx.msk [tilespmem:v5+s7+$0x0], $0xffff  }
0x20: {  	v3 =	vadd.s32 $0xA, v3;
	v17 =	vld.idx.msk [tilespmem:v11+s2+$0x0], $0xffff  }
0x21: {  	v5 =	vld.idx.msk [tilespmem:v6+s7+$0x0], $0xffff;
	v8 =	vadd.f32 v9, v8  }
0x22: {  	v9 =	vld.idx.msk [tilespmem:v10+s2+$0x0], $0xffff  }
0x23: {  	v6 =	vld.idx.msk [tilespmem:v14+s7+$0x0], $0xffff;
	v8 =	vadd.f32 v16, v8  }
0x24: {  	v14 =	vld.idx.msk [tilespmem:v2+s2+$0x0], $0xffff  }
0x25: {  	v3 =	vld.idx.msk [tilespmem:v3+s7+$0x0], $0xffff;
	v8 =	vadd.f32 v17, v8  }
0x26: {  	v16 =	vld.idx.msk [tilespmem:v4+s2+$0x0], $0xffff  }
0x27: {  	v8 =	vadd.f32 v9, v8  }
0x28: {  	v9 =	vld.idx.msk [tilespmem:v7+s2+$0x0], $0xffff  }
0x29: {  	v8 =	vadd.f32 v14, v8  }
0x2a: {  	v14 =	vld.idx.msk [tilespmem:v5+s2+$0x0], $0xffff  }
0x2b: {  	v8 =	vadd.f32 v16, v8  }
0x2c: {  	v16 =	vld.idx.msk [tilespmem:v6+s2+$0x0], $0xffff  }
0x2d: {  	v8 =	vadd.f32 v9, v8  }
0x2e: {  	v9 =	vld.idx.msk [tilespmem:v3+s2+$0x0], $0xffff  }
0x2f: {  	v8 =	vadd.f32 v14, v8  }
0x30: {  	v1 =	vshll.u32 v1, $0x7  }
0x31: {  	v14 =	vadd.s32 $0x7B0, v15;
	v8 =	vadd.f32 v16, v8  }
0x32: {  	v16 =	vadd.s32 $0x7B0, v13  }
0x33: {  	v8 =	vadd.f32 v9, v8  }
0x34: {  	v9 =	vadd.s32 $0x7B0, v12  }
0x35: {  	[tilespmem:v1+s10+$0x0] =	vst.idx.msk $0xffff, v8  }
0x36: {  	v8 =	vadd.s32 $0x7B0, v11;
	v14 =	vld.idx.msk [tilespmem:v14+s2+$0x0], $0xffff  }
0x37: {  	v16 =	vld.idx.msk [tilespmem:v16+s2+$0x0], $0xffff  }
0x38: {  	v17 =	vadd.s32 $0x7B0, v10  }
0x39: {  	v9 =	vld.idx.msk [tilespmem:v9+s2+$0x0], $0xffff  }
0x3a: {  	v18 =	vadd.s32 $0x7B0, v2  }
0x3b: {  	v8 =	vld.idx.msk [tilespmem:v8+s2+$0x0], $0xffff  }
0x3c: {  	v19 =	vadd.s32 $0x7B0, v4;
	v14 =	vadd.f32 v16, v14  }
0x3d: {  	v16 =	vld.idx.msk [tilespmem:v17+s2+$0x0], $0xffff  }
0x3e: {  	v17 =	vadd.s32 $0x7B0, v7;
	v9 =	vadd.f32 v9, v14  }
0x3f: {  	v14 =	vld.idx.msk [tilespmem:v18+s2+$0x0], $0xffff  }
0x40: {  	v18 =	vadd.s32 $0x7B0, v5;
	v8 =	vadd.f32 v8, v9  }
0x41: {  	v9 =	vld.idx.msk [tilespmem:v19+s2+$0x0], $0xffff  }
0x42: {  	v19 =	vadd.s32 $0x7B0, v6;
	v8 =	vadd.f32 v16, v8  }
0x43: {  	v16 =	vld.idx.msk [tilespmem:v17+s2+$0x0], $0xffff  }
0x44: {  	v17 =	vadd.s32 $0x7B0, v3;
	v8 =	vadd.f32 v14, v8  }
0x45: {  	v14 =	vld.idx.msk [tilespmem:v18+s2+$0x0], $0xffff  }
0x46: {  	v8 =	vadd.f32 v9, v8  }
0x47: {  	v9 =	vld.idx.msk [tilespmem:v19+s2+$0x0], $0xffff  }
0x48: {  	v8 =	vadd.f32 v16, v8  }
0x49: {  	v16 =	vld.idx.msk [tilespmem:v17+s2+$0x0], $0xffff  }
0x4a: {  	v8 =	vadd.f32 v14, v8  }
0x4b: {  	v14 =	vor.u32 $0x1, v1  }
0x4c: {  	v8 =	vadd.f32 v9, v8;
	v9 =	vadd.s32 $0xF60, v15  }
0x4d: {  	v17 =	vadd.s32 $0xF60, v13  }
0x4e: {  	v8 =	vadd.f32 v16, v8  }
0x4f: {  	v16 =	vadd.s32 $0xF60, v12  }
0x50: {  	[tilespmem:v14+s10+$0x0] =	vst.idx.msk $0xffff, v8  }
0x51: {  	v8 =	vld.idx.msk [tilespmem:v9+s2+$0x0], $0xffff;
	v9 =	vadd.s32 $0xF60, v11  }
0x52: {  	v14 =	vld.idx.msk [tilespmem:v17+s2+$0x0], $0xffff  }
0x53: {  	v17 =	vadd.s32 $0xF60, v10  }
0x54: {  	v16 =	vld.idx.msk [tilespmem:v16+s2+$0x0], $0xffff  }
0x55: {  	v18 =	vadd.s32 $0xF60, v2  }
0x56: {  	v9 =	vld.idx.msk [tilespmem:v9+s2+$0x0], $0xffff  }
0x57: {  	v19 =	vadd.s32 $0xF60, v4;
	v8 =	vadd.f32 v14, v8  }
0x58: {  	v14 =	vld.idx.msk [tilespmem:v17+s2+$0x0], $0xffff  }
0x59: {  	v17 =	vadd.s32 $0xF60, v7;
	v8 =	vadd.f32 v16, v8  }
0x5a: {  	v16 =	vld.idx.msk [tilespmem:v18+s2+$0x0], $0xffff  }
0x5b: {  	v18 =	vadd.s32 $0xF60, v5;
	v8 =	vadd.f32 v9, v8  }
0x5c: {  	v9 =	vld.idx.msk [tilespmem:v19+s2+$0x0], $0xffff  }
0x5d: {  	v19 =	vadd.s32 $0xF60, v6;
	v8 =	vadd.f32 v14, v8  }
0x5e: {  	v14 =	vld.idx.msk [tilespmem:v17+s2+$0x0], $0xffff  }
0x5f: {  	v17 =	vadd.s32 $0xF60, v3;
	v8 =	vadd.f32 v16, v8  }
0x60: {  	v16 =	vld.idx.msk [tilespmem:v18+s2+$0x0], $0xffff  }
0x61: {  	v8 =	vadd.f32 v9, v8  }
0x62: {  	v9 =	vld.idx.msk [tilespmem:v19+s2+$0x0], $0xffff  }
0x63: {  	v8 =	vadd.f32 v14, v8  }
0x64: {  	v14 =	vld.idx.msk [tilespmem:v17+s2+$0x0], $0xffff  }
0x65: {  	v8 =	vadd.f32 v16, v8  }
0x66: {  	v16 =	vor.u32 $0x2, v1  }
0x67: {  	v8 =	vadd.f32 v9, v8;
	v9 =	vadd.s32 $0x1710, v15  }
0x68: {  	s12 =	simm.s32 $0x10;
	v17 =	vadd.s32 $0x1710, v13  }
0x69: {  	v20 =	vor.u32 s12, v0;
	v8 =	vadd.f32 v14, v8  }
0x6a: {  	v19 =	vmul.u32 $0xB, v20;
	v14 =	vadd.s32 $0x1710, v12  }
0x6b: {  	[tilespmem:v16+s10+$0x0] =	vst.idx.msk $0xffff, v8  }
0x6c: {  	v8 =	vld.idx.msk [tilespmem:v9+s2+$0x0], $0xffff;
	v9 =	vadd.s32 $0x1710, v11  }
0x6d: {  	v16 =	vld.idx.msk [tilespmem:v17+s2+$0x0], $0xffff;
	v17 =	vadd.s32 $0x1710, v10  }
0x6e: {  	v21 =	vadd.s32 $0xA, v19  }
0x6f: {  	v22 =	vadd.s32 $0x1710, v2;
	v14 =	vld.idx.msk [tilespmem:v14+s2+$0x0], $0xffff  }
0x70: {  	v23 =	vadd.s32 $0x9, v19;
	v18 =	vld.idx.msk [tilespmem:v19+s7+$0x0], $0xffff  }
0x71: {  	v25 =	vadd.s32 $0x1710, v4;
	v24 =	vld.idx.msk [tilespmem:v9+s2+$0x0], $0xffff  }
0x72: {  	v9 =	vadd.f32 v16, v8;
	v16 =	vadd.s32 $0x7, v19;
	v17 =	vld.idx.msk [tilespmem:v17+s2+$0x0], $0xffff  }
0x73: {  	v8 =	vld.idx.msk [tilespmem:v21+s7+$0x0], $0xffff;
	v21 =	vadd.s32 $0x1710, v7  }
0x74: {  	v26 =	vadd.s32 $0x6, v19;
	v22 =	vld.idx.msk [tilespmem:v22+s2+$0x0], $0xffff;
	v14 =	vadd.f32 v14, v9  }
0x75: {  	v9 =	vld.idx.msk [tilespmem:v23+s7+$0x0], $0xffff;
	v23 =	vadd.s32 $0x1710, v5  }
0x76: {  	v27 =	vadd.s32 $0x1, v19;
	v25 =	vld.idx.msk [tilespmem:v25+s2+$0x0], $0xffff;
	v24 =	vadd.f32 v24, v14  }
0x77: {  	v28 =	vadd.s32 $0x1710, v6;
	v14 =	vld.idx.msk [tilespmem:v16+s7+$0x0], $0xffff  }
0x78: {  	v29 =	vadd.s32 $0x2, v19;
	v21 =	vld.idx.msk [tilespmem:v21+s2+$0x0], $0xffff;
	v17 =	vadd.f32 v17, v24  }
0x79: {  	v16 =	vld.idx.msk [tilespmem:v26+s7+$0x0], $0xffff  }
0x7a: {  	v26 =	vadd.s32 $0x1710, v3;
	v23 =	vld.idx.msk [tilespmem:v23+s2+$0x0], $0xffff;
	v17 =	vadd.f32 v22, v17  }
0x7b: {  	v30 =	vadd.s32 $0x5, v19;
	v24 =	vld.idx.msk [tilespmem:v27+s7+$0x0], $0xffff  }
0x7c: {  	v31 =	vadd.s32 $0x3, v19;
	v27 =	vld.idx.msk [tilespmem:v28+s2+$0x0], $0xffff;
	v17 =	vadd.f32 v25, v17  }
0x7d: {  	v22 =	vld.idx.msk [tilespmem:v29+s7+$0x0], $0xffff;
	v25 =	vadd.s32 $0x4, v19;
	v19 =	vand.u32 $0x1FFF, v19  }
0x7e: {  	v28 =	vadd.s32 $0x8, v19;
	v17 =	vadd.f32 v21, v17  }
0x7f: {  	v26 =	vld.idx.msk [tilespmem:v26+s2+$0x0], $0xffff  }
0x80: {  	v19 =	vld.idx.msk [tilespmem:v30+s7+$0x0], $0xffff;
	v17 =	vadd.f32 v23, v17  }
0x81: {  	v29 =	vor.u32 $0x3, v1;
	v23 =	vld.idx.msk [tilespmem:v31+s7+$0x0], $0xffff  }
0x82: {  	v21 =	vld.idx.msk [tilespmem:v25+s7+$0x0], $0xffff;
	v25 =	vadd.f32 v27, v17;
	v27 =	vadd.s32 $0x1EC0, v15  }
0x83: {  	v17 =	vld.idx.msk [tilespmem:v28+s7+$0x0], $0xffff;
	v28 =	vadd.s32 $0x1EC0, v13  }
0x84: {  	v30 =	vld.idx.msk [tilespmem:v18+s2+$0x0], $0xffff;
	v31 =	vadd.s32 $0x1EC0, v12;
	v25 =	vadd.f32 v26, v25  }
0x85: {  	v32 =	vld.idx.msk [tilespmem:v22+s2+$0x0], $0xffff  }
0x86: {  	v26 =	vld.idx.msk [tilespmem:v24+s2+$0x0], $0xffff;
	[tilespmem:v29+s10+$0x0] =	vst.idx.msk $0xffff, v25  }
0x87: {  	v25 =	vld.idx.msk [tilespmem:v27+s2+$0x0], $0xffff;
	v27 =	vadd.s32 $0x1EC0, v11  }
0x88: {  	v28 =	vld.idx.msk [tilespmem:v28+s2+$0x0], $0xffff  }
0x89: {  	v33 =	vadd.s32 $0x1EC0, v10;
	v31 =	vld.idx.msk [tilespmem:v31+s2+$0x0], $0xffff  }
0x8a: {  	v29 =	vld.idx.msk [tilespmem:v23+s2+$0x0], $0xffff  }
0x8b: {  	v34 =	vld.idx.msk [tilespmem:v21+s2+$0x0], $0xffff;
	v26 =	vadd.f32 v26, v30;
	v30 =	vadd.s32 $0x1EC0, v2  }
0x8c: {  	v27 =	vld.idx.msk [tilespmem:v27+s2+$0x0], $0xffff  }
0x8d: {  	v35 =	vadd.s32 $0x1EC0, v4;
	v59 =	vld.idx.msk [tilespmem:v19+s2+$0x0], $0xffff;
	v26 =	vadd.f32 v32, v26;
	v25 =	vadd.f32 v28, v25  }
0x8e: {  	v28 =	vld.idx.msk [tilespmem:v33+s2+$0x0], $0xffff  }
0x8f: {  	v60 =	vld.idx.msk [tilespmem:v16+s2+$0x0], $0xffff;
	v26 =	vadd.f32 v29, v26;
	v29 =	vadd.s32 $0x1EC0, v7;
	v25 =	vadd.f32 v31, v25  }
0x90: {  	v30 =	vld.idx.msk [tilespmem:v30+s2+$0x0], $0xffff  }
0x91: {  	v61 =	vadd.s32 $0x1EC0, v5;
	v31 =	vld.idx.msk [tilespmem:v14+s2+$0x0], $0xffff;
	v26 =	vadd.f32 v34, v26;
	v25 =	vadd.f32 v27, v25  }
0x92: {  	v27 =	vld.idx.msk [tilespmem:v35+s2+$0x0], $0xffff  }
0x93: {  	v63 =	vadd.s32 $0x1EC0, v6;
	v62 =	vld.idx.msk [tilespmem:v17+s2+$0x0], $0xffff;
	v26 =	vadd.f32 v59, v26;
	v25 =	vadd.f32 v28, v25  }
0x94: {  	v28 =	vld.idx.msk [tilespmem:v29+s2+$0x0], $0xffff  }
0x95: {  	v37 =	vadd.s32 $0x1EC0, v3;
	v29 =	vld.idx.msk [tilespmem:v9+s2+$0x0], $0xffff;
	v26 =	vadd.f32 v60, v26;
	v25 =	vadd.f32 v30, v25  }
0x96: {  	v30 =	vld.idx.msk [tilespmem:v61+s2+$0x0], $0xffff  }
0x97: {  	s31 =	simm.s32 $0x20;
	v40 =	vld.idx.msk [tilespmem:v8+s2+$0x0], $0xffff;
	v26 =	vadd.f32 v31, v26;
	v25 =	vadd.f32 v27, v25  }
0x98: {  	v36 =	vor.u32 s31, v0;
	v27 =	vld.idx.msk [tilespmem:v63+s2+$0x0], $0xffff  }
0x99: {  	v33 =	vmul.u32 $0xB, v36;
	v26 =	vadd.f32 v62, v26;
	v25 =	vadd.f32 v28, v25  }
0x9a: {  	v20 =	vshll.u32 v20, $0x7;
	v28 =	vld.idx.msk [tilespmem:v37+s2+$0x0], $0xffff  }
0x9b: {  	v26 =	vadd.f32 v29, v26;
	v29 =	vadd.s32 $0x7B0, v19;
	v25 =	vadd.f32 v30, v25  }
0x9c: {  	v31 =	vor.u32 $0x4, v1;
	v30 =	vadd.s32 $0x7B0, v18  }
0x9d: {  	v41 =	vadd.s32 $0x2670, v15;
	v26 =	vadd.f32 v40, v26;
	v27 =	vadd.f32 v27, v25  }
0x9e: {  	v42 =	vadd.s32 $0x2670, v13  }
0x9f: {  	v25 =	vld.idx.msk [tilespmem:v33+s7+$0x0], $0xffff;
	[tilespmem:v20+s10+$0x0] =	vst.idx.msk $0xffff, v26;
	v26 =	vadd.s32 $0x7B0, v24;
	v27 =	vadd.f32 v28, v27  }
0xa0: {  	v28 =	vld.idx.msk [tilespmem:v29+s2+$0x0], $0xffff;
	v29 =	vadd.s32 $0x2670, v12  }
0xa1: {  	v43 =	vadd.s32 $0x7B0, v22;
	v30 =	vld.idx.msk [tilespmem:v30+s2+$0x0], $0xffff;
	[tilespmem:v31+s10+$0x0] =	vst.idx.msk $0xffff, v27  }
0xa2: {  	v31 =	vadd.s32 $0x2670, v11;
	v27 =	vld.idx.msk [tilespmem:v41+s2+$0x0], $0xffff  }
0xa3: {  	v44 =	vadd.s32 $0x7B0, v23;
	v34 =	vld.idx.msk [tilespmem:v42+s2+$0x0], $0xffff  }
0xa4: {  	v45 =	vadd.s32 $0x2670, v10;
	v26 =	vld.idx.msk [tilespmem:v26+s2+$0x0], $0xffff  }
0xa5: {  	v38 =	vadd.s32 $0x7B0, v21;
	v29 =	vld.idx.msk [tilespmem:v29+s2+$0x0], $0xffff  }
0xa6: {  	v39 =	vadd.s32 $0x2670, v2;
	v35 =	vld.idx.msk [tilespmem:v43+s2+$0x0], $0xffff  }
0xa7: {  	v47 =	vadd.s32 $0x2670, v7;
	v31 =	vld.idx.msk [tilespmem:v31+s2+$0x0], $0xffff  }
0xa8: {  	v40 =	vadd.s32 $0x2670, v4;
	v32 =	vld.idx.msk [tilespmem:v44+s2+$0x0], $0xffff;
	v27 =	vadd.f32 v34, v27  }
0xa9: {  	v54 =	vadd.s32 $0x2670, v3;
	v46 =	vld.idx.msk [tilespmem:v45+s2+$0x0], $0xffff  }
0xaa: {  	v38 =	vld.idx.msk [tilespmem:v38+s2+$0x0], $0xffff;
	v41 =	vadd.s32 $0x7B0, v16;
	v26 =	vadd.f32 v26, v30;
	v27 =	vadd.f32 v29, v27  }
0xab: {  	v30 =	vadd.s32 $0x7B0, v14;
	v29 =	vld.idx.msk [tilespmem:v39+s2+$0x0], $0xffff  }
0xac: {  	v48 =	vadd.s32 $0x2670, v5;
	v53 =	vld.idx.msk [tilespmem:v47+s2+$0x0], $0xffff;
	v26 =	vadd.f32 v35, v26;
	v27 =	vadd.f32 v31, v27  }
0xad: {  	v49 =	vadd.s32 $0x7B0, v17;
	v31 =	vld.idx.msk [tilespmem:v40+s2+$0x0], $0xffff  }
0xae: {  	v51 =	vadd.s32 $0x2670, v6;
	v58 =	vld.idx.msk [tilespmem:v54+s2+$0x0], $0xffff;
	v26 =	vadd.f32 v32, v26;
	v27 =	vadd.f32 v46, v27  }
0xaf: {  	v52 =	vadd.s32 $0x7B0, v9;
	v50 =	vld.idx.msk [tilespmem:v41+s2+$0x0], $0xffff  }
0xb0: {  	v55 =	vadd.s32 $0x7B0, v8;
	v30 =	vld.idx.msk [tilespmem:v30+s2+$0x0], $0xffff;
	v26 =	vadd.f32 v38, v26;
	v27 =	vadd.f32 v29, v27  }
0xb1: {  	v42 =	vadd.s32 $0xA, v33;
	v29 =	vld.idx.msk [tilespmem:v48+s2+$0x0], $0xffff  }
0xb2: {  	v35 =	vld.idx.msk [tilespmem:v49+s2+$0x0], $0xffff;
	v26 =	vadd.f32 v28, v26;
	v28 =	vadd.s32 $0x7, v33;
	v27 =	vadd.f32 v31, v27  }
0xb3: {  	v56 =	vadd.s32 $0x9, v33;
	v31 =	vld.idx.msk [tilespmem:v51+s2+$0x0], $0xffff  }
0xb4: {  	v59 =	vadd.s32 $0x5, v33;
	v32 =	vld.idx.msk [tilespmem:v52+s2+$0x0], $0xffff;
	v40 =	vadd.f32 v50, v26;
	v27 =	vadd.f32 v53, v27  }
0xb5: {  	v57 =	vadd.s32 $0x6, v33;
	v38 =	vld.idx.msk [tilespmem:v55+s2+$0x0], $0xffff  }
0xb6: {  	v61 =	vadd.s32 $0x3, v33;
	v26 =	vld.idx.msk [tilespmem:v42+s7+$0x0], $0xffff;
	v30 =	vadd.f32 v30, v40;
	v29 =	vadd.f32 v29, v27  }
0xb7: {  	v60 =	vadd.s32 $0x4, v33;
	v62 =	vor.u32 $0x5, v1;
	v28 =	vld.idx.msk [tilespmem:v28+s7+$0x0], $0xffff  }
0xb8: {  	v43 =	vadd.s32 $0x2E20, v15;
	v27 =	vld.idx.msk [tilespmem:v56+s7+$0x0], $0xffff;
	v35 =	vadd.f32 v35, v30;
	v31 =	vadd.f32 v31, v29  }
0xb9: {  	v63 =	vor.u32 $0x1, v20;
	v44 =	vadd.s32 $0x2E20, v13;
	v30 =	vld.idx.msk [tilespmem:v59+s7+$0x0], $0xffff  }
0xba: {  	v46 =	vadd.s32 $0xF60, v18;
	v29 =	vld.idx.msk [tilespmem:v57+s7+$0x0], $0xffff;
	v35 =	vadd.f32 v32, v35;
	v34 =	vadd.f32 v58, v31  }
0xbb: {  	v47 =	vadd.s32 $0x2E20, v12;
	v32 =	vld.idx.msk [tilespmem:v61+s7+$0x0], $0xffff  }
0xbc: {  	v48 =	vadd.s32 $0xF60, v24;
	v31 =	vld.idx.msk [tilespmem:v60+s7+$0x0], $0xffff;
	v35 =	vadd.f32 v38, v35;
	[tilespmem:v62+s10+$0x0] =	vst.idx.msk $0xffff, v34  }
0xbd: {  	v49 =	vadd.s32 $0x2E20, v11;
	v34 =	vld.idx.msk [tilespmem:v43+s2+$0x0], $0xffff  }
0xbe: {  	v50 =	vadd.s32 $0xF60, v22;
	[tilespmem:v63+s10+$0x0] =	vst.idx.msk $0xffff, v35;
	v51 =	vld.idx.msk [tilespmem:v44+s2+$0x0], $0xffff  }
0xbf: {  	v52 =	vadd.s32 $0x2E20, v10;
	v37 =	vld.idx.msk [tilespmem:v46+s2+$0x0], $0xffff  }
0xc0: {  	v53 =	vadd.s32 $0xF60, v23;
	v42 =	vld.idx.msk [tilespmem:v47+s2+$0x0], $0xffff  }
0xc1: {  	v54 =	vadd.s32 $0x2E20, v2;
	v38 =	vld.idx.msk [tilespmem:v48+s2+$0x0], $0xffff  }
0xc2: {  	v45 =	vadd.s32 $0xF60, v21;
	v39 =	vld.idx.msk [tilespmem:v49+s2+$0x0], $0xffff  }
0xc3: {  	v57 =	vadd.s32 $0x2E20, v7;
	v35 =	vld.idx.msk [tilespmem:v50+s2+$0x0], $0xffff  }
0xc4: {  	v55 =	vld.idx.msk [tilespmem:v52+s2+$0x0], $0xffff  }
0xc5: {  	v46 =	vadd.s32 $0x2E20, v4;
	v56 =	vld.idx.msk [tilespmem:v53+s2+$0x0], $0xffff;
	v34 =	vadd.f32 v51, v34  }
0xc6: {  	v47 =	vadd.s32 $0xF60, v19;
	v58 =	vld.idx.msk [tilespmem:v54+s2+$0x0], $0xffff  }
0xc7: {  	v48 =	vadd.s32 $0xF60, v16;
	v44 =	vld.idx.msk [tilespmem:v45+s2+$0x0], $0xffff;
	v34 =	vadd.f32 v42, v34  }
0xc8: {  	v60 =	vadd.s32 $0xF60, v14;
	v53 =	vld.idx.msk [tilespmem:v57+s2+$0x0], $0xffff;
	v37 =	vadd.f32 v38, v37  }
0xc9: {  	v59 =	vadd.s32 $0x2E20, v5;
	v45 =	vld.idx.msk [tilespmem:v27+s2+$0x0], $0xffff;
	v34 =	vadd.f32 v39, v34  }
0xca: {  	v61 =	vld.idx.msk [tilespmem:v46+s2+$0x0], $0xffff;
	v35 =	vadd.f32 v35, v37  }
0xcb: {  	v63 =	vadd.s32 $0x2E20, v6;
	v62 =	vld.idx.msk [tilespmem:v47+s2+$0x0], $0xffff;
	v34 =	vadd.f32 v55, v34  }
0xcc: {  	v52 =	vadd.s32 $0xF60, v17;
	v54 =	vld.idx.msk [tilespmem:v48+s2+$0x0], $0xffff;
	v35 =	vadd.f32 v56, v35  }
0xcd: {  	v38 =	vld.idx.msk [tilespmem:v60+s2+$0x0], $0xffff;
	v55 =	vadd.s32 $0x2E20, v3;
	v34 =	vadd.f32 v58, v34  }
0xce: {  	v57 =	vadd.s32 $0xF60, v9;
	v56 =	vld.idx.msk [tilespmem:v59+s2+$0x0], $0xffff;
	v35 =	vadd.f32 v44, v35  }
0xcf: {  	v60 =	vadd.s32 $0xF60, v8;
	v48 =	vld.idx.msk [tilespmem:v25+s2+$0x0], $0xffff;
	v34 =	vadd.f32 v61, v34  }
0xd0: {  	v59 =	vld.idx.msk [tilespmem:v63+s2+$0x0], $0xffff;
	v35 =	vadd.f32 v62, v35  }
0xd1: {  	v49 =	vadd.s32 $0x2, v33;
	v37 =	vld.idx.msk [tilespmem:v52+s2+$0x0], $0xffff;
	v40 =	vadd.f32 v53, v34  }
0xd2: {  	v43 =	vadd.f32 v54, v35;
	v61 =	vld.idx.msk [tilespmem:v55+s2+$0x0], $0xffff  }
0xd3: {  	v42 =	vld.idx.msk [tilespmem:v57+s2+$0x0], $0xffff;
	v58 =	vadd.s32 $0x1, v33;
	v33 =	vand.u32 $0x1FFF, v33;
	v40 =	vadd.f32 v56, v40  }
0xd4: {  	v63 =	vld.idx.msk [tilespmem:v60+s2+$0x0], $0xffff;
	v62 =	vor.u32 $0x6, v1;
	v33 =	vadd.s32 $0x8, v33;
	v38 =	vadd.f32 v38, v43  }
0xd5: {  	v52 =	vadd.s32 $0x35D0, v15;
	v44 =	vld.idx.msk [tilespmem:v26+s2+$0x0], $0xffff;
	v39 =	vadd.f32 v59, v40  }
0xd6: {  	v34 =	vld.idx.msk [tilespmem:v49+s7+$0x0], $0xffff;
	v53 =	vadd.s32 $0x35D0, v13;
	v37 =	vadd.f32 v37, v38  }
0xd7: {  	v55 =	vor.u32 $0x2, v20;
	v49 =	vld.idx.msk [tilespmem:v28+s2+$0x0], $0xffff;
	v56 =	vadd.s32 $0x35D0, v12;
	v54 =	vadd.f32 v61, v39  }
0xd8: {  	v57 =	vadd.s32 $0x1710, v18;
	v35 =	vld.idx.msk [tilespmem:v58+s7+$0x0], $0xffff;
	v37 =	vadd.f32 v42, v37  }
0xd9: {  	v58 =	vadd.s32 $0x35D0, v11;
	v33 =	vld.idx.msk [tilespmem:v33+s7+$0x0], $0xffff;
	[tilespmem:v62+s10+$0x0] =	vst.idx.msk $0xffff, v54  }
0xda: {  	v59 =	vadd.s32 $0x1710, v24;
	v37 =	vadd.f32 v63, v37;
	v38 =	vld.idx.msk [tilespmem:v52+s2+$0x0], $0xffff  }
0xdb: {  	v50 =	vadd.s32 $0x1710, v23;
	v60 =	vld.idx.msk [tilespmem:v53+s2+$0x0], $0xffff  }
0xdc: {  	[tilespmem:v55+s10+$0x0] =	vst.idx.msk $0xffff, v37;
	v63 =	vld.idx.msk [tilespmem:v56+s2+$0x0], $0xffff  }
0xdd: {  	v61 =	vadd.s32 $0x35D0, v10;
	v42 =	vld.idx.msk [tilespmem:v57+s2+$0x0], $0xffff  }
0xde: {  	v62 =	vadd.s32 $0x1710, v22;
	v40 =	vld.idx.msk [tilespmem:v58+s2+$0x0], $0xffff  }
0xdf: {  	v56 =	vadd.s32 $0x35D0, v2;
	v41 =	vld.idx.msk [tilespmem:v59+s2+$0x0], $0xffff  }
0xe0: {  	v51 =	vadd.s32 $0x35D0, v4;
	v46 =	vld.idx.msk [tilespmem:v50+s2+$0x0], $0xffff  }
0xe1: {  	v52 =	vadd.s32 $0x1710, v21;
	v50 =	vld.idx.msk [tilespmem:v30+s2+$0x0], $0xffff;
	v38 =	vadd.f32 v60, v38  }
0xe2: {  	v58 =	vadd.s32 $0x35D0, v7;
	v57 =	vld.idx.msk [tilespmem:v61+s2+$0x0], $0xffff  }
0xe3: {  	v54 =	vadd.s32 $0x1710, v16;
	v37 =	vld.idx.msk [tilespmem:v62+s2+$0x0], $0xffff;
	v38 =	vadd.f32 v63, v38  }
0xe4: {  	v53 =	vadd.s32 $0x1710, v19;
	v59 =	vld.idx.msk [tilespmem:v56+s2+$0x0], $0xffff  }
0xe5: {  	v61 =	vld.idx.msk [tilespmem:v51+s2+$0x0], $0xffff;
	v60 =	vadd.s32 $0x35D0, v5;
	v38 =	vadd.f32 v40, v38  }
0xe6: {  	v51 =	vld.idx.msk [tilespmem:v52+s2+$0x0], $0xffff;
	v41 =	vadd.f32 v41, v42;
	v63 =	vadd.s32 $0x1710, v14  }
0xe7: {  	v62 =	vadd.s32 $0x35D0, v6;
	v56 =	vld.idx.msk [tilespmem:v58+s2+$0x0], $0xffff;
	v38 =	vadd.f32 v57, v38  }
0xe8: {  	v58 =	vadd.s32 $0x35D0, v3;
	v37 =	vadd.f32 v37, v41;
	v41 =	vld.idx.msk [tilespmem:v54+s2+$0x0], $0xffff  }
0xe9: {  	v57 =	vld.idx.msk [tilespmem:v53+s2+$0x0], $0xffff;
	v38 =	vadd.f32 v59, v38  }
0xea: {  	v37 =	vadd.f32 v46, v37;
	v59 =	vld.idx.msk [tilespmem:v60+s2+$0x0], $0xffff;
	v60 =	vadd.s32 $0x1710, v17  }
0xeb: {  	v42 =	vld.idx.msk [tilespmem:v63+s2+$0x0], $0xffff;
	v38 =	vadd.f32 v61, v38  }
0xec: {  	v37 =	vadd.f32 v51, v37;
	v61 =	vld.idx.msk [tilespmem:v62+s2+$0x0], $0xffff;
	v62 =	vadd.s32 $0x1710, v9  }
0xed: {  	v63 =	vld.idx.msk [tilespmem:v58+s2+$0x0], $0xffff;
	v38 =	vadd.f32 v56, v38  }
0xee: {  	v58 =	vld.idx.msk [tilespmem:v35+s2+$0x0], $0xffff;
	v37 =	vadd.f32 v57, v37;
	v56 =	vadd.s32 $0x1710, v8  }
0xef: {  	v57 =	vld.idx.msk [tilespmem:v60+s2+$0x0], $0xffff;
	v38 =	vadd.f32 v59, v38  }
0xf0: {  	v46 =	vld.idx.msk [tilespmem:v34+s2+$0x0], $0xffff;
	v37 =	vadd.f32 v41, v37;
	v59 =	vor.u32 $0x7, v1  }
0xf1: {  	v41 =	vld.idx.msk [tilespmem:v62+s2+$0x0], $0xffff;
	v38 =	vadd.f32 v61, v38;
	v61 =	vadd.s32 $0x3D80, v15  }
0xf2: {  	v60 =	vld.idx.msk [tilespmem:v32+s2+$0x0], $0xffff;
	v62 =	vadd.s32 $0x3D80, v13;
	v37 =	vadd.f32 v42, v37  }
0xf3: {  	v42 =	vld.idx.msk [tilespmem:v56+s2+$0x0], $0xffff;
	v38 =	vadd.f32 v63, v38  }
0xf4: {  	v52 =	vld.idx.msk [tilespmem:v33+s2+$0x0], $0xffff;
	v63 =	vadd.s32 $0x3D80, v12;
	v37 =	vadd.f32 v57, v37;
	v57 =	vadd.f32 v58, v48  }
0xf5: {  	v54 =	vld.idx.msk [tilespmem:v31+s2+$0x0], $0xffff;
	v58 =	vor.u32 $0x3, v20;
	[tilespmem:v59+s10+$0x0] =	vst.idx.msk $0xffff, v38;
	v59 =	vadd.s32 $0x3D80, v11  }
0xf6: {  	v37 =	vadd.f32 v41, v37;
	v38 =	vadd.f32 v46, v57;
	v40 =	vld.idx.msk [tilespmem:v61+s2+$0x0], $0xffff;
	v61 =	vadd.s32 $0x1EC0, v18  }
0xf7: {  	v48 =	vld.idx.msk [tilespmem:v62+s2+$0x0], $0xffff;
	v62 =	vadd.s32 $0x3D80, v10  }
0xf8: {  	v51 =	vld.idx.msk [tilespmem:v29+s2+$0x0], $0xffff;
	v37 =	vadd.f32 v42, v37;
	v42 =	vadd.s32 $0x1EC0, v24;
	v38 =	vadd.f32 v60, v38  }
0xf9: {  	v55 =	vld.idx.msk [tilespmem:v63+s2+$0x0], $0xffff;
	v63 =	vadd.s32 $0x3D80, v2  }
0xfa: {  	v60 =	vadd.s32 $0x1EC0, v22;
	[tilespmem:v58+s10+$0x0] =	vst.idx.msk $0xffff, v37;
	v38 =	vadd.f32 v54, v38;
	v56 =	vld.idx.msk [tilespmem:v59+s2+$0x0], $0xffff  }
0xfb: {  	v57 =	vadd.s32 $0x1EC0, v23;
	v46 =	vld.idx.msk [tilespmem:v61+s2+$0x0], $0xffff  }
0xfc: {  	v61 =	vadd.s32 $0x3D80, v4;
	v39 =	vld.idx.msk [tilespmem:v62+s2+$0x0], $0xffff;
	v40 =	vadd.f32 v48, v40;
	v62 =	vadd.f32 v50, v38  }
0xfd: {  	v41 =	vadd.s32 $0x3D80, v7;
	v48 =	vld.idx.msk [tilespmem:v42+s2+$0x0], $0xffff  }
0xfe: {  	v38 =	vld.idx.msk [tilespmem:v63+s2+$0x0], $0xffff;
	v40 =	vadd.f32 v55, v40;
	v63 =	vadd.f32 v51, v62;
	v51 =	vadd.s32 $0x1EC0, v21  }
0xff: {  	v47 =	vld.idx.msk [tilespmem:v60+s2+$0x0], $0xffff;
	v42 =	vadd.s32 $0x3D80, v5  }
0x100: {  	v50 =	vadd.s32 $0x1EC0, v19;
	v40 =	vadd.f32 v56, v40;
	v53 =	vadd.f32 v49, v63;
	v49 =	vld.idx.msk [tilespmem:v57+s2+$0x0], $0xffff  }
0x101: {  	s12 =	simm.s32 $0x30;
	v43 =	vadd.s32 $0x3D80, v6;
	v37 =	vld.idx.msk [tilespmem:v61+s2+$0x0], $0xffff  }
.LBB2_2:
0x102: {  	v54 =	vor.u32 s12, v0;
	p0 =	sne.s32 s12, $0x1F0;
	v55 =	vadd.s32 $0x1EC0, v16;
	v40 =	vadd.f32 v39, v40;
	v41 =	vld.idx.msk [tilespmem:v41+s2+$0x0], $0xffff  }
0x103: {  	v39 =	vmul.u32 $0xB, v54;
	v52 =	vadd.f32 v52, v53;
	v51 =	vld.idx.msk [tilespmem:v51+s2+$0x0], $0xffff;
	v53 =	vadd.s32 $0x3D80, v3  }
0x104: {  	v46 =	vadd.f32 v48, v46;
	v40 =	vadd.f32 v38, v40;
	v42 =	vld.idx.msk [tilespmem:v42+s2+$0x0], $0xffff  }
0x105: {  	v38 =	vshll.u32 v36, $0x7;
	v36 =	vmovc v54;
	v45 =	vadd.f32 v45, v52;
	v48 =	vld.idx.msk [tilespmem:v50+s2+$0x0], $0xffff;
	v50 =	vadd.s32 $0x1EC0, v14  }
0x106: {  	v46 =	vadd.f32 v47, v46;
	v52 =	vadd.s32 $0x7B0, v30;
	v37 =	vadd.f32 v37, v40;
	v40 =	vld.idx.msk [tilespmem:v43+s2+$0x0], $0xffff  }
0x107: {  	v43 =	vadd.f32 v44, v45;
	v44 =	vld.idx.msk [tilespmem:v55+s2+$0x0], $0xffff;
	v45 =	vadd.s32 $0x1EC0, v17  }
0x108: {  	v47 =	vadd.s32 $0x7B0, v31;
	v46 =	vadd.f32 v49, v46;
	v37 =	vadd.f32 v41, v37;
	v41 =	vld.idx.msk [tilespmem:v53+s2+$0x0], $0xffff  }
0x109: {  	v54 =	vadd.s32 $0x1EC0, v9;
	v53 =	vadd.s32 $0x7B0, v32;
	v49 =	vld.idx.msk [tilespmem:v39+s7+$0x0], $0xffff  }
0x10a: {  	[tilespmem:v38+s10+$0x0] =	vst.idx.msk $0xffff, v43;
	v43 =	vadd.f32 v51, v46;
	v46 =	vld.idx.msk [tilespmem:v50+s2+$0x0], $0xffff;
	v42 =	vadd.f32 v42, v37  }
0x10b: {  	v50 =	vadd.s32 $0x1EC0, v8;
	v51 =	vor.u32 $0x8, v1;
	v37 =	vld.idx.msk [tilespmem:v52+s2+$0x0], $0xffff  }
0x10c: {  	v43 =	vadd.f32 v48, v43;
	v45 =	vld.idx.msk [tilespmem:v45+s2+$0x0], $0xffff;
	v42 =	vadd.f32 v40, v42;
	v48 =	vadd.s32 $0x4530, v15;
	v15 =	vmovc v18  }
0x10d: {  	v18 =	vmovc v25;
	v40 =	vld.idx.msk [tilespmem:v47+s2+$0x0], $0xffff;
	v47 =	vadd.s32 $0x4530, v13;
	v13 =	vmov v24;
	v24 =	vmov v35  }
0x10e: {  	v35 =	vadd.s32 $0x7B0, v34;
	v43 =	vadd.f32 v44, v43;
	v44 =	vld.idx.msk [tilespmem:v54+s2+$0x0], $0xffff;
	v41 =	vadd.f32 v41, v42  }
0x10f: {  	v52 =	vadd.s32 $0x4530, v12;
	v12 =	vmovc v22;
	v22 =	vmov v34;
	v25 =	vmov v49;
	v42 =	vld.idx.msk [tilespmem:v53+s2+$0x0], $0xffff  }
0x110: {  	v34 =	vadd.s32 $0x7B0, v18;
	v43 =	vadd.f32 v46, v43;
	v46 =	vld.idx.msk [tilespmem:v50+s2+$0x0], $0xffff;
	[tilespmem:v51+s10+$0x0] =	vst.idx.msk $0xffff, v41  }
0x111: {  	v41 =	vld.idx.msk [tilespmem:v48+s2+$0x0], $0xffff;
	v48 =	vadd.s32 $0x4530, v11;
	v11 =	vmov v23;
	v23 =	vmov v32  }
0x112: {  	v32 =	vadd.s32 $0x7B0, v24;
	v43 =	vadd.f32 v45, v43;
	v45 =	vld.idx.msk [tilespmem:v47+s2+$0x0], $0xffff  }
0x113: {  	v49 =	vadd.s32 $0x4530, v10;
	v10 =	vmovc v21;
	v21 =	vmov v31;
	v47 =	vor.u32 $0x4, v20;
	v35 =	vld.idx.msk [tilespmem:v35+s2+$0x0], $0xffff  }
0x114: {  	v31 =	vadd.f32 v44, v43;
	v43 =	vadd.s32 $0x2670, v15;
	v44 =	vld.idx.msk [tilespmem:v52+s2+$0x0], $0xffff  }
0x115: {  	v50 =	vadd.s32 $0x4530, v2;
	v2 =	vmov v19;
	v19 =	vmov v30;
	v34 =	vld.idx.msk [tilespmem:v34+s2+$0x0], $0xffff  }
0x116: {  	v30 =	vadd.f32 v46, v31;
	v31 =	vadd.s32 $0x2670, v13;
	v46 =	vld.idx.msk [tilespmem:v48+s2+$0x0], $0xffff  }
0x117: {  	v48 =	vadd.s32 $0x4530, v4;
	v4 =	vmov v16;
	v16 =	vmov v29;
	v32 =	vld.idx.msk [tilespmem:v32+s2+$0x0], $0xffff  }
0x118: {  	v29 =	vadd.s32 $0x2670, v12;
	[tilespmem:v47+s10+$0x0] =	vst.idx.msk $0xffff, v30;
	v30 =	vadd.f32 v45, v41;
	v41 =	vld.idx.msk [tilespmem:v49+s2+$0x0], $0xffff  }
0x119: {  	v45 =	vadd.s32 $0x4530, v7;
	v7 =	vmov v14;
	v14 =	vmov v28;
	v43 =	vld.idx.msk [tilespmem:v43+s2+$0x0], $0xffff  }
0x11a: {  	v28 =	vadd.s32 $0x2670, v11;
	v30 =	vadd.f32 v44, v30;
	v44 =	vld.idx.msk [tilespmem:v50+s2+$0x0], $0xffff  }
0x11b: {  	v47 =	vadd.s32 $0x4530, v5;
	v5 =	vmov v17;
	v17 =	vmov v33;
	v31 =	vld.idx.msk [tilespmem:v31+s2+$0x0], $0xffff  }
0x11c: {  	v33 =	vadd.s32 $0x2670, v10;
	v30 =	vadd.f32 v46, v30;
	v46 =	vld.idx.msk [tilespmem:v48+s2+$0x0], $0xffff  }
0x11d: {  	v48 =	vadd.s32 $0x4530, v6;
	v6 =	vmov v9;
	v9 =	vmov v27;
	v29 =	vld.idx.msk [tilespmem:v29+s2+$0x0], $0xffff  }
0x11e: {  	v27 =	vadd.s32 $0x2670, v2;
	v30 =	vadd.f32 v41, v30;
	v41 =	vld.idx.msk [tilespmem:v45+s2+$0x0], $0xffff  }
0x11f: {  	v45 =	vadd.s32 $0x4530, v3;
	v3 =	vmov v8;
	v8 =	vmov v26;
	v28 =	vld.idx.msk [tilespmem:v28+s2+$0x0], $0xffff  }
0x120: {  	v26 =	vadd.s32 $0x2670, v4;
	v30 =	vadd.f32 v44, v30;
	v44 =	vld.idx.msk [tilespmem:v47+s2+$0x0], $0xffff  }
0x121: {  	v47 =	vadd.s32 $0x7B0, v16;
	v31 =	vadd.f32 v31, v43;
	v33 =	vld.idx.msk [tilespmem:v33+s2+$0x0], $0xffff  }
0x122: {  	v43 =	vadd.s32 $0x2670, v7;
	v30 =	vadd.f32 v46, v30;
	v46 =	vld.idx.msk [tilespmem:v48+s2+$0x0], $0xffff  }
0x123: {  	v32 =	vadd.f32 v32, v34;
	v34 =	vadd.s32 $0x7B0, v14;
	v29 =	vadd.f32 v29, v31;
	v27 =	vld.idx.msk [tilespmem:v27+s2+$0x0], $0xffff  }
0x124: {  	v31 =	vadd.s32 $0x2670, v5;
	v30 =	vadd.f32 v41, v30;
	v41 =	vld.idx.msk [tilespmem:v45+s2+$0x0], $0xffff  }
0x125: {  	v32 =	vadd.f32 v35, v32;
	v35 =	vadd.s32 $0x7B0, v17;
	v28 =	vadd.f32 v28, v29;
	v26 =	vld.idx.msk [tilespmem:v26+s2+$0x0], $0xffff  }
0x126: {  	v45 =	vadd.s32 $0x2670, v6;
	v29 =	vld.idx.msk [tilespmem:v47+s2+$0x0], $0xffff;
	v30 =	vadd.f32 v44, v30;
	v44 =	vor.u32 $0x9, v1;
	v1 =	vmovc v20;
	v20 =	vmovc v38  }
0x127: {  	v32 =	vadd.f32 v42, v32;
	v38 =	vadd.s32 $0x7B0, v9;
	v28 =	vadd.f32 v33, v28;
	v33 =	vld.idx.msk [tilespmem:v43+s2+$0x0], $0xffff  }
0x128: {  	v42 =	vadd.s32 $0x2670, v3;
	v34 =	vld.idx.msk [tilespmem:v34+s2+$0x0], $0xffff;
	v30 =	vadd.f32 v46, v30  }
0x129: {  	v32 =	vadd.f32 v40, v32;
	v43 =	vadd.s32 $0xA, v39;
	v27 =	vadd.f32 v27, v28;
	v28 =	vld.idx.msk [tilespmem:v31+s2+$0x0], $0xffff  }
0x12a: {  	v31 =	vld.idx.msk [tilespmem:v35+s2+$0x0], $0xffff;
	v35 =	vadd.s32 $0x7B0, v8;
	v30 =	vadd.f32 v41, v30  }
0x12b: {  	v40 =	vadd.s32 $0x9, v39;
	v32 =	vadd.f32 v37, v32;
	v26 =	vadd.f32 v26, v27;
	v37 =	vld.idx.msk [tilespmem:v45+s2+$0x0], $0xffff  }
0x12c: {  	v41 =	vadd.s32 $0x7, v39;
	v38 =	vld.idx.msk [tilespmem:v38+s2+$0x0], $0xffff;
	[tilespmem:v44+s10+$0x0] =	vst.idx.msk $0xffff, v30  }
0x12d: {  	v27 =	vadd.f32 v29, v32;
	v30 =	vadd.s32 $0x6, v39;
	v29 =	vadd.f32 v33, v26;
	v32 =	vld.idx.msk [tilespmem:v42+s2+$0x0], $0xffff  }
0x12e: {  	v33 =	vadd.s32 $0x5, v39;
	v26 =	vld.idx.msk [tilespmem:v43+s7+$0x0], $0xffff  }
0x12f: {  	v42 =	vadd.s32 $0x4, v39;
	v34 =	vadd.f32 v34, v27;
	v29 =	vadd.f32 v28, v29;
	v35 =	vld.idx.msk [tilespmem:v35+s2+$0x0], $0xffff  }
0x130: {  	v43 =	vadd.s32 $0x3, v39;
	v27 =	vld.idx.msk [tilespmem:v40+s7+$0x0], $0xffff;
	v40 =	vor.u32 $0x5, v1  }
0x131: {  	v31 =	vadd.f32 v31, v34;
	v34 =	vadd.f32 v37, v29;
	v37 =	vadd.s32 $0x2E20, v15;
	v28 =	vld.idx.msk [tilespmem:v41+s7+$0x0], $0xffff  }
0x132: {  	v44 =	vadd.s32 $0x2E20, v13;
	v41 =	vor.u32 $0x1, v20;
	v29 =	vld.idx.msk [tilespmem:v30+s7+$0x0], $0xffff  }
0x133: {  	v34 =	vadd.f32 v32, v34;
	v30 =	vld.idx.msk [tilespmem:v33+s7+$0x0], $0xffff;
	v33 =	vadd.f32 v38, v31;
	v38 =	vadd.s32 $0xF60, v18  }
0x134: {  	v31 =	vld.idx.msk [tilespmem:v42+s7+$0x0], $0xffff;
	v42 =	vadd.s32 $0x2E20, v12  }
0x135: {  	v32 =	vld.idx.msk [tilespmem:v43+s7+$0x0], $0xffff;
	v33 =	vadd.f32 v35, v33;
	v35 =	vadd.s32 $0xF60, v24;
	[tilespmem:v40+s10+$0x0] =	vst.idx.msk $0xffff, v34  }
0x136: {  	v34 =	vld.idx.msk [tilespmem:v37+s2+$0x0], $0xffff;
	v37 =	vadd.s32 $0x2E20, v11  }
0x137: {  	[tilespmem:v41+s10+$0x0] =	vst.idx.msk $0xffff, v33;
	v33 =	vadd.s32 $0xF60, v22;
	v40 =	vld.idx.msk [tilespmem:v44+s2+$0x0], $0xffff  }
0x138: {  	v41 =	vadd.s32 $0x2E20, v10;
	v38 =	vld.idx.msk [tilespmem:v38+s2+$0x0], $0xffff  }
0x139: {  	v43 =	vadd.s32 $0xF60, v23;
	v42 =	vld.idx.msk [tilespmem:v42+s2+$0x0], $0xffff  }
0x13a: {  	v44 =	vadd.s32 $0x2E20, v2;
	v35 =	vld.idx.msk [tilespmem:v35+s2+$0x0], $0xffff  }
0x13b: {  	v45 =	vadd.s32 $0xF60, v21;
	v37 =	vld.idx.msk [tilespmem:v37+s2+$0x0], $0xffff  }
0x13c: {  	v46 =	vadd.s32 $0x2E20, v4;
	v33 =	vld.idx.msk [tilespmem:v33+s2+$0x0], $0xffff  }
0x13d: {  	v47 =	vadd.s32 $0xF60, v19;
	v34 =	vadd.f32 v40, v34;
	v40 =	vld.idx.msk [tilespmem:v41+s2+$0x0], $0xffff  }
0x13e: {  	v41 =	vld.idx.msk [tilespmem:v43+s2+$0x0], $0xffff;
	v43 =	vadd.s32 $0x2E20, v7  }
0x13f: {  	v48 =	vadd.s32 $0xF60, v16;
	v34 =	vadd.f32 v42, v34;
	v42 =	vld.idx.msk [tilespmem:v44+s2+$0x0], $0xffff  }
0x140: {  	v44 =	vld.idx.msk [tilespmem:v45+s2+$0x0], $0xffff;
	v45 =	vadd.s32 $0x2E20, v5  }
0x141: {  	v35 =	vadd.f32 v35, v38;
	v38 =	vadd.s32 $0xF60, v14;
	v34 =	vadd.f32 v37, v34;
	v37 =	vld.idx.msk [tilespmem:v46+s2+$0x0], $0xffff  }
0x142: {  	v46 =	vld.idx.msk [tilespmem:v47+s2+$0x0], $0xffff;
	v47 =	vadd.s32 $0x2E20, v6  }
0x143: {  	v33 =	vadd.f32 v33, v35;
	v35 =	vadd.s32 $0xF60, v17;
	v34 =	vadd.f32 v40, v34;
	v40 =	vld.idx.msk [tilespmem:v43+s2+$0x0], $0xffff  }
0x144: {  	v43 =	vld.idx.msk [tilespmem:v48+s2+$0x0], $0xffff;
	v48 =	vadd.s32 $0x2E20, v3  }
0x145: {  	v49 =	vadd.s32 $0x2, v39;
	v33 =	vadd.f32 v41, v33;
	v34 =	vadd.f32 v42, v34;
	v41 =	vld.idx.msk [tilespmem:v45+s2+$0x0], $0xffff  }
0x146: {  	v42 =	vadd.s32 $0xF60, v9;
	v38 =	vld.idx.msk [tilespmem:v38+s2+$0x0], $0xffff  }
0x147: {  	v45 =	vadd.s32 $0x1, v39;
	v33 =	vadd.f32 v44, v33;
	v34 =	vadd.f32 v37, v34;
	v37 =	vld.idx.msk [tilespmem:v47+s2+$0x0], $0xffff  }
0x148: {  	v39 =	vand.u32 $0x1FFF, v39;
	v47 =	vadd.s32 $0xF60, v8;
	v44 =	vld.idx.msk [tilespmem:v35+s2+$0x0], $0xffff  }
0x149: {  	v39 =	vadd.s32 $0x8, v39;
	v33 =	vadd.f32 v46, v33;
	v35 =	vadd.f32 v40, v34;
	v40 =	vld.idx.msk [tilespmem:v48+s2+$0x0], $0xffff  }
0x14a: {  	v34 =	vld.idx.msk [tilespmem:v49+s7+$0x0], $0xffff  }
0x14b: {  	v33 =	vadd.f32 v43, v33;
	v41 =	vadd.f32 v41, v35;
	v42 =	vld.idx.msk [tilespmem:v42+s2+$0x0], $0xffff  }
0x14c: {  	v43 =	vor.u32 $0x6, v1;
	v35 =	vld.idx.msk [tilespmem:v45+s7+$0x0], $0xffff  }
0x14d: {  	v38 =	vadd.f32 v38, v33;
	v37 =	vadd.f32 v37, v41;
	v41 =	vadd.s32 $0x35D0, v15;
	v46 =	vld.idx.msk [tilespmem:v47+s2+$0x0], $0xffff  }
0x14e: {  	v33 =	vld.idx.msk [tilespmem:v39+s7+$0x0], $0xffff;
	v39 =	vadd.s32 $0x35D0, v13  }
0x14f: {  	v38 =	vadd.f32 v44, v38;
	v37 =	vadd.f32 v40, v37;
	v47 =	vld.idx.msk [tilespmem:v25+s2+$0x0], $0xffff  }
0x150: {  	v48 =	vadd.s32 $0x35D0, v12;
	v40 =	vor.u32 $0x2, v20;
	v44 =	vld.idx.msk [tilespmem:v26+s2+$0x0], $0xffff  }
0x151: {  	v38 =	vadd.f32 v42, v38;
	v42 =	vadd.s32 $0x1710, v18;
	v45 =	vld.idx.msk [tilespmem:v27+s2+$0x0], $0xffff;
	[tilespmem:v43+s10+$0x0] =	vst.idx.msk $0xffff, v37  }
0x152: {  	v37 =	vld.idx.msk [tilespmem:v41+s2+$0x0], $0xffff;
	v41 =	vadd.s32 $0x35D0, v11  }
0x153: {  	v38 =	vadd.f32 v46, v38;
	v46 =	vadd.s32 $0x1710, v24;
	v39 =	vld.idx.msk [tilespmem:v39+s2+$0x0], $0xffff  }
0x154: {  	v49 =	vadd.s32 $0x35D0, v10;
	v43 =	vld.idx.msk [tilespmem:v28+s2+$0x0], $0xffff  }
0x155: {  	[tilespmem:v40+s10+$0x0] =	vst.idx.msk $0xffff, v38;
	v38 =	vadd.s32 $0x1710, v22;
	v40 =	vld.idx.msk [tilespmem:v48+s2+$0x0], $0xffff  }
0x156: {  	v48 =	vadd.s32 $0x35D0, v2;
	v42 =	vld.idx.msk [tilespmem:v42+s2+$0x0], $0xffff  }
0x157: {  	v50 =	vadd.s32 $0x1710, v23;
	v41 =	vld.idx.msk [tilespmem:v41+s2+$0x0], $0xffff  }
0x158: {  	v51 =	vadd.s32 $0x35D0, v4;
	v46 =	vld.idx.msk [tilespmem:v46+s2+$0x0], $0xffff  }
0x159: {  	v52 =	vadd.s32 $0x1710, v21;
	v37 =	vadd.f32 v39, v37;
	v39 =	vld.idx.msk [tilespmem:v49+s2+$0x0], $0xffff  }
0x15a: {  	v49 =	vadd.s32 $0x35D0, v7;
	v38 =	vld.idx.msk [tilespmem:v38+s2+$0x0], $0xffff  }
0x15b: {  	v53 =	vadd.s32 $0x1710, v19;
	v37 =	vadd.f32 v40, v37;
	v40 =	vld.idx.msk [tilespmem:v48+s2+$0x0], $0xffff  }
0x15c: {  	v48 =	vld.idx.msk [tilespmem:v50+s2+$0x0], $0xffff;
	v50 =	vadd.s32 $0x35D0, v5  }
0x15d: {  	v54 =	vadd.s32 $0x1710, v16;
	v37 =	vadd.f32 v41, v37;
	v41 =	vld.idx.msk [tilespmem:v51+s2+$0x0], $0xffff  }
0x15e: {  	v51 =	vld.idx.msk [tilespmem:v52+s2+$0x0], $0xffff;
	v52 =	vadd.s32 $0x35D0, v6  }
0x15f: {  	v42 =	vadd.f32 v46, v42;
	v46 =	vadd.s32 $0x1710, v14;
	v37 =	vadd.f32 v39, v37;
	v39 =	vld.idx.msk [tilespmem:v49+s2+$0x0], $0xffff  }
0x160: {  	v49 =	vld.idx.msk [tilespmem:v53+s2+$0x0], $0xffff;
	v53 =	vadd.s32 $0x35D0, v3  }
0x161: {  	v38 =	vadd.f32 v38, v42;
	v37 =	vadd.f32 v40, v37;
	v40 =	vld.idx.msk [tilespmem:v50+s2+$0x0], $0xffff  }
0x162: {  	v50 =	vadd.s32 $0x1710, v17;
	v42 =	vld.idx.msk [tilespmem:v54+s2+$0x0], $0xffff  }
0x163: {  	v38 =	vadd.f32 v48, v38;
	v37 =	vadd.f32 v41, v37;
	v41 =	vld.idx.msk [tilespmem:v52+s2+$0x0], $0xffff  }
0x164: {  	v48 =	vadd.s32 $0x1710, v9;
	v46 =	vld.idx.msk [tilespmem:v46+s2+$0x0], $0xffff  }
0x165: {  	v38 =	vadd.f32 v51, v38;
	v37 =	vadd.f32 v39, v37;
	v39 =	vld.idx.msk [tilespmem:v53+s2+$0x0], $0xffff  }
0x166: {  	v51 =	vadd.s32 $0x1710, v8;
	v53 =	vld.idx.msk [tilespmem:v29+s2+$0x0], $0xffff  }
0x167: {  	v38 =	vadd.f32 v49, v38;
	v37 =	vadd.f32 v40, v37;
	v49 =	vld.idx.msk [tilespmem:v50+s2+$0x0], $0xffff  }
0x168: {  	v50 =	vor.u32 $0x7, v1;
	v40 =	vld.idx.msk [tilespmem:v35+s2+$0x0], $0xffff  }
0x169: {  	v38 =	vadd.f32 v42, v38;
	v37 =	vadd.f32 v41, v37;
	v41 =	vadd.s32 $0x3D80, v15;
	v42 =	vld.idx.msk [tilespmem:v48+s2+$0x0], $0xffff  }
0x16a: {  	v52 =	vadd.s32 $0x3D80, v13;
	v48 =	vld.idx.msk [tilespmem:v34+s2+$0x0], $0xffff  }
0x16b: {  	v38 =	vadd.f32 v46, v38;
	v37 =	vadd.f32 v39, v37;
	v46 =	vld.idx.msk [tilespmem:v51+s2+$0x0], $0xffff  }
0x16c: {  	v51 =	vadd.s32 $0x3D80, v12;
	v39 =	vld.idx.msk [tilespmem:v32+s2+$0x0], $0xffff  }
0x16d: {  	v38 =	vadd.f32 v49, v38;
	v54 =	vld.idx.msk [tilespmem:v31+s2+$0x0], $0xffff;
	[tilespmem:v50+s10+$0x0] =	vst.idx.msk $0xffff, v37  }
0x16e: {  	v37 =	vadd.f32 v40, v47;
	v40 =	vor.u32 $0x3, v20;
	v47 =	vadd.s32 $0x3D80, v11;
	v41 =	vld.idx.msk [tilespmem:v41+s2+$0x0], $0xffff  }
0x16f: {  	v38 =	vadd.f32 v42, v38;
	v42 =	vadd.s32 $0x1EC0, v18;
	v49 =	vld.idx.msk [tilespmem:v52+s2+$0x0], $0xffff  }
0x170: {  	v50 =	vadd.s32 $0x3D80, v10;
	v37 =	vadd.f32 v48, v37;
	v48 =	vld.idx.msk [tilespmem:v30+s2+$0x0], $0xffff  }
0x171: {  	v55 =	vadd.s32 $0x1EC0, v24;
	v38 =	vadd.f32 v46, v38;
	v56 =	vld.idx.msk [tilespmem:v51+s2+$0x0], $0xffff  }
0x172: {  	v57 =	vadd.s32 $0x3D80, v2;
	v37 =	vadd.f32 v39, v37;
	v52 =	vld.idx.msk [tilespmem:v33+s2+$0x0], $0xffff  }
0x173: {  	[tilespmem:v40+s10+$0x0] =	vst.idx.msk $0xffff, v38;
	v40 =	vadd.s32 $0x1EC0, v22;
	v58 =	vld.idx.msk [tilespmem:v47+s2+$0x0], $0xffff  }
0x174: {  	v37 =	vadd.f32 v54, v37;
	v54 =	vadd.s32 $0x3D80, v4;
	v46 =	vld.idx.msk [tilespmem:v42+s2+$0x0], $0xffff  }
0x175: {  	v59 =	vadd.s32 $0x1EC0, v23;
	v38 =	vadd.f32 v49, v41;
	v39 =	vld.idx.msk [tilespmem:v50+s2+$0x0], $0xffff  }
.Ltmp0:
0x176: {  	v41 =	vadd.s32 $0x3D80, v7;
	v37 =	vadd.f32 v48, v37;
	v48 =	vld.idx.msk [tilespmem:v55+s2+$0x0], $0xffff;
	(pc) =	sbr.rel @p0 .LBB2_2-.Ltmp0, $4  }
0x177: {  	v51 =	vadd.s32 $0x1EC0, v21;
	v49 =	vadd.f32 v56, v38;
	v38 =	vld.idx.msk [tilespmem:v57+s2+$0x0], $0xffff  }
0x178: {  	v42 =	vadd.s32 $0x3D80, v5;
	v53 =	vadd.f32 v53, v37;
	v47 =	vld.idx.msk [tilespmem:v40+s2+$0x0], $0xffff  }
0x179: {  	v50 =	vadd.s32 $0x1EC0, v19;
	v40 =	vadd.f32 v58, v49;
	v37 =	vld.idx.msk [tilespmem:v54+s2+$0x0], $0xffff  }
0x17a: {  	s12 =	sadd.s32 $0x10, s12;
	v53 =	vadd.f32 v43, v53;
	v43 =	vadd.s32 $0x3D80, v6;
	v49 =	vld.idx.msk [tilespmem:v59+s2+$0x0], $0xffff  }
0x17b: {  	_ = 	snop  }
0x17c: {  	v52 =	vadd.f32 v52, v53  }
0x17d: {  	v36 =	vshll.u32 v36, $0x7  }
0x17e: {  	v63 =	vadd.s32 $0x7B0, v25;
	v45 =	vadd.f32 v45, v52  }
0x17f: {  	v56 =	vadd.s32 $0x7B0, v35  }
0x180: {  	v44 =	vadd.f32 v44, v45  }
0x181: {  	v57 =	vadd.s32 $0x7B0, v34  }
0x182: {  	[tilespmem:v36+s10+$0x0] =	vst.idx.msk $0xffff, v44  }
0x183: {  	v58 =	vadd.s32 $0x7B0, v32;
	v52 =	vld.idx.msk [tilespmem:v63+s2+$0x0], $0xffff  }
0x184: {  	v53 =	vld.idx.msk [tilespmem:v56+s2+$0x0], $0xffff  }
0x185: {  	v54 =	vadd.s32 $0x7B0, v31  }
0x186: {  	v45 =	vld.idx.msk [tilespmem:v57+s2+$0x0], $0xffff  }
0x187: {  	v55 =	vadd.s32 $0x7B0, v30  }
0x188: {  	v44 =	vld.idx.msk [tilespmem:v58+s2+$0x0], $0xffff  }
0x189: {  	v59 =	vadd.s32 $0x7B0, v29;
	v52 =	vadd.f32 v53, v52  }
0x18a: {  	v54 =	vld.idx.msk [tilespmem:v54+s2+$0x0], $0xffff  }
0x18b: {  	v60 =	vadd.s32 $0x7B0, v28;
	v45 =	vadd.f32 v45, v52  }
0x18c: {  	v55 =	vld.idx.msk [tilespmem:v55+s2+$0x0], $0xffff  }
0x18d: {  	v61 =	vadd.s32 $0x7B0, v33;
	v44 =	vadd.f32 v44, v45  }
0x18e: {  	v53 =	vld.idx.msk [tilespmem:v59+s2+$0x0], $0xffff  }
0x18f: {  	v62 =	vadd.s32 $0x7B0, v27;
	v44 =	vadd.f32 v54, v44  }
0x190: {  	v52 =	vld.idx.msk [tilespmem:v60+s2+$0x0], $0xffff  }
0x191: {  	v63 =	vadd.s32 $0x7B0, v26;
	v44 =	vadd.f32 v55, v44  }
0x192: {  	v45 =	vld.idx.msk [tilespmem:v61+s2+$0x0], $0xffff  }
0x193: {  	v44 =	vadd.f32 v53, v44  }
0x194: {  	v56 =	vld.idx.msk [tilespmem:v62+s2+$0x0], $0xffff  }
0x195: {  	v44 =	vadd.f32 v52, v44  }
0x196: {  	v57 =	vld.idx.msk [tilespmem:v63+s2+$0x0], $0xffff  }
0x197: {  	v44 =	vadd.f32 v45, v44  }
0x198: {  	v58 =	vor.u32 $0x1, v36  }
0x199: {  	v59 =	vadd.s32 $0xF60, v25;
	v44 =	vadd.f32 v56, v44  }
0x19a: {  	v60 =	vadd.s32 $0xF60, v35  }
0x19b: {  	v44 =	vadd.f32 v57, v44  }
0x19c: {  	v61 =	vadd.s32 $0xF60, v34  }
0x19d: {  	[tilespmem:v58+s10+$0x0] =	vst.idx.msk $0xffff, v44  }
0x19e: {  	v62 =	vadd.s32 $0xF60, v32;
	v44 =	vld.idx.msk [tilespmem:v59+s2+$0x0], $0xffff  }
0x19f: {  	v63 =	vld.idx.msk [tilespmem:v60+s2+$0x0], $0xffff  }
0x1a0: {  	v57 =	vadd.s32 $0xF60, v31  }
0x1a1: {  	v52 =	vld.idx.msk [tilespmem:v61+s2+$0x0], $0xffff  }
0x1a2: {  	v58 =	vadd.s32 $0xF60, v30  }
0x1a3: {  	v45 =	vld.idx.msk [tilespmem:v62+s2+$0x0], $0xffff  }
0x1a4: {  	v59 =	vadd.s32 $0xF60, v29;
	v44 =	vadd.f32 v63, v44  }
0x1a5: {  	v54 =	vld.idx.msk [tilespmem:v57+s2+$0x0], $0xffff  }
0x1a6: {  	v60 =	vadd.s32 $0xF60, v28;
	v44 =	vadd.f32 v52, v44  }
0x1a7: {  	v55 =	vld.idx.msk [tilespmem:v58+s2+$0x0], $0xffff  }
0x1a8: {  	v61 =	vadd.s32 $0xF60, v33;
	v44 =	vadd.f32 v45, v44  }
0x1a9: {  	v53 =	vld.idx.msk [tilespmem:v59+s2+$0x0], $0xffff  }
0x1aa: {  	v62 =	vadd.s32 $0xF60, v27;
	v44 =	vadd.f32 v54, v44  }
0x1ab: {  	v52 =	vld.idx.msk [tilespmem:v60+s2+$0x0], $0xffff  }
0x1ac: {  	v63 =	vadd.s32 $0xF60, v26;
	v44 =	vadd.f32 v55, v44  }
0x1ad: {  	v45 =	vld.idx.msk [tilespmem:v61+s2+$0x0], $0xffff  }
0x1ae: {  	v44 =	vadd.f32 v53, v44  }
0x1af: {  	v56 =	vld.idx.msk [tilespmem:v62+s2+$0x0], $0xffff  }
0x1b0: {  	v44 =	vadd.f32 v52, v44  }
0x1b1: {  	v57 =	vld.idx.msk [tilespmem:v63+s2+$0x0], $0xffff  }
0x1b2: {  	v44 =	vadd.f32 v45, v44  }
0x1b3: {  	v58 =	vor.u32 $0x2, v36  }
0x1b4: {  	v59 =	vadd.s32 $0x1710, v25;
	v44 =	vadd.f32 v56, v44  }
0x1b5: {  	v60 =	vadd.s32 $0x1710, v35  }
0x1b6: {  	v44 =	vadd.f32 v57, v44  }
0x1b7: {  	v61 =	vadd.s32 $0x1710, v34  }
0x1b8: {  	[tilespmem:v58+s10+$0x0] =	vst.idx.msk $0xffff, v44  }
0x1b9: {  	v62 =	vadd.s32 $0x1710, v32;
	v44 =	vld.idx.msk [tilespmem:v59+s2+$0x0], $0xffff  }
0x1ba: {  	v63 =	vld.idx.msk [tilespmem:v60+s2+$0x0], $0xffff  }
0x1bb: {  	v57 =	vadd.s32 $0x1710, v31  }
0x1bc: {  	v52 =	vld.idx.msk [tilespmem:v61+s2+$0x0], $0xffff  }
0x1bd: {  	v58 =	vadd.s32 $0x1710, v30  }
0x1be: {  	v45 =	vld.idx.msk [tilespmem:v62+s2+$0x0], $0xffff  }
0x1bf: {  	v59 =	vadd.s32 $0x1710, v29;
	v44 =	vadd.f32 v63, v44  }
0x1c0: {  	v54 =	vld.idx.msk [tilespmem:v57+s2+$0x0], $0xffff  }
0x1c1: {  	v60 =	vadd.s32 $0x1710, v28;
	v44 =	vadd.f32 v52, v44  }
0x1c2: {  	v55 =	vld.idx.msk [tilespmem:v58+s2+$0x0], $0xffff  }
0x1c3: {  	v61 =	vadd.s32 $0x1710, v33;
	v44 =	vadd.f32 v45, v44  }
0x1c4: {  	v53 =	vld.idx.msk [tilespmem:v59+s2+$0x0], $0xffff  }
0x1c5: {  	v62 =	vadd.s32 $0x1710, v27;
	v44 =	vadd.f32 v54, v44  }
0x1c6: {  	v52 =	vld.idx.msk [tilespmem:v60+s2+$0x0], $0xffff  }
0x1c7: {  	v63 =	vadd.s32 $0x1710, v26;
	v44 =	vadd.f32 v55, v44  }
0x1c8: {  	v45 =	vld.idx.msk [tilespmem:v61+s2+$0x0], $0xffff  }
0x1c9: {  	v44 =	vadd.f32 v53, v44  }
0x1ca: {  	v57 =	vld.idx.msk [tilespmem:v62+s2+$0x0], $0xffff  }
0x1cb: {  	v44 =	vadd.f32 v52, v44  }
0x1cc: {  	v58 =	vld.idx.msk [tilespmem:v63+s2+$0x0], $0xffff  }
0x1cd: {  	v44 =	vadd.f32 v45, v44  }
0x1ce: {  	v59 =	vor.u32 $0x3, v36  }
0x1cf: {  	v60 =	vadd.s32 $0x1EC0, v25;
	v44 =	vadd.f32 v57, v44  }
0x1d0: {  	v61 =	vadd.s32 $0x1EC0, v35  }
0x1d1: {  	v44 =	vadd.f32 v58, v44  }
0x1d2: {  	v62 =	vadd.s32 $0x1EC0, v34  }
0x1d3: {  	[tilespmem:v59+s10+$0x0] =	vst.idx.msk $0xffff, v44  }
0x1d4: {  	v63 =	vadd.s32 $0x1EC0, v32;
	v44 =	vld.idx.msk [tilespmem:v60+s2+$0x0], $0xffff  }
0x1d5: {  	v57 =	vld.idx.msk [tilespmem:v61+s2+$0x0], $0xffff  }
0x1d6: {  	v58 =	vadd.s32 $0x1EC0, v31  }
0x1d7: {  	v46 =	vadd.f32 v48, v46;
	v59 =	vadd.s32 $0x1EC0, v16;
	v60 =	vld.idx.msk [tilespmem:v62+s2+$0x0], $0xffff  }
0x1d8: {  	v51 =	vld.idx.msk [tilespmem:v51+s2+$0x0], $0xffff;
	v61 =	vadd.s32 $0x1EC0, v30  }
0x1d9: {  	v46 =	vadd.f32 v47, v46;
	v62 =	vadd.s32 $0x1EC0, v14;
	v45 =	vld.idx.msk [tilespmem:v63+s2+$0x0], $0xffff  }
0x1da: {  	v50 =	vld.idx.msk [tilespmem:v50+s2+$0x0], $0xffff;
	v63 =	vadd.s32 $0x1EC0, v29;
	v44 =	vadd.f32 v57, v44  }
0x1db: {  	v46 =	vadd.f32 v49, v46;
	v54 =	vld.idx.msk [tilespmem:v58+s2+$0x0], $0xffff;
	v57 =	vadd.s32 $0x1EC0, v17  }
0x1dc: {  	v58 =	vadd.s32 $0x1EC0, v28;
	v55 =	vld.idx.msk [tilespmem:v59+s2+$0x0], $0xffff;
	v44 =	vadd.f32 v60, v44  }
0x1dd: {  	v46 =	vadd.f32 v51, v46;
	v59 =	vadd.s32 $0x1EC0, v9;
	v52 =	vld.idx.msk [tilespmem:v61+s2+$0x0], $0xffff  }
0x1de: {  	v47 =	vld.idx.msk [tilespmem:v62+s2+$0x0], $0xffff;
	v60 =	vadd.s32 $0x1EC0, v33;
	v44 =	vadd.f32 v45, v44  }
0x1df: {  	v46 =	vadd.f32 v50, v46;
	v61 =	vadd.s32 $0x1EC0, v8;
	v53 =	vld.idx.msk [tilespmem:v63+s2+$0x0], $0xffff  }
0x1e0: {  	v62 =	vadd.s32 $0x1EC0, v27;
	v49 =	vld.idx.msk [tilespmem:v57+s2+$0x0], $0xffff;
	v44 =	vadd.f32 v54, v44  }
0x1e1: {  	v48 =	vld.idx.msk [tilespmem:v58+s2+$0x0], $0xffff;
	v46 =	vadd.f32 v55, v46  }
0x1e2: {  	v63 =	vadd.s32 $0x1EC0, v26;
	v51 =	vld.idx.msk [tilespmem:v59+s2+$0x0], $0xffff;
	v44 =	vadd.f32 v52, v44  }
0x1e3: {  	v46 =	vadd.f32 v47, v46;
	v45 =	vld.idx.msk [tilespmem:v60+s2+$0x0], $0xffff  }
0x1e4: {  	v56 =	vld.idx.msk [tilespmem:v61+s2+$0x0], $0xffff;
	v44 =	vadd.f32 v53, v44  }
0x1e5: {  	v57 =	vld.idx.msk [tilespmem:v62+s2+$0x0], $0xffff;
	v46 =	vadd.f32 v49, v46  }
0x1e6: {  	v58 =	vor.u32 $0x4, v20;
	v44 =	vadd.f32 v48, v44  }
0x1e7: {  	v59 =	vadd.s32 $0x2670, v18;
	v60 =	vld.idx.msk [tilespmem:v63+s2+$0x0], $0xffff;
	v46 =	vadd.f32 v51, v46  }
0x1e8: {  	v61 =	vadd.s32 $0x2670, v24;
	v44 =	vadd.f32 v45, v44  }
0x1e9: {  	v63 =	vadd.s32 $0x2670, v22;
	v62 =	vadd.f32 v56, v46;
	v56 =	vor.u32 $0x4, v36  }
0x1ea: {  	v44 =	vadd.f32 v57, v44;
	v57 =	vadd.s32 $0x2670, v25  }
0x1eb: {  	[tilespmem:v58+s10+$0x0] =	vst.idx.msk $0xffff, v62;
	v58 =	vadd.s32 $0x2670, v35  }
0x1ec: {  	v48 =	vld.idx.msk [tilespmem:v59+s2+$0x0], $0xffff;
	v59 =	vadd.s32 $0x2670, v23;
	v44 =	vadd.f32 v60, v44  }
0x1ed: {  	v60 =	vld.idx.msk [tilespmem:v61+s2+$0x0], $0xffff;
	v61 =	vadd.s32 $0x2670, v34  }
0x1ee: {  	v62 =	vadd.s32 $0x2670, v21;
	v46 =	vld.idx.msk [tilespmem:v63+s2+$0x0], $0xffff;
	[tilespmem:v56+s10+$0x0] =	vst.idx.msk $0xffff, v44  }
0x1ef: {  	v63 =	vadd.s32 $0x2670, v32;
	v44 =	vld.idx.msk [tilespmem:v57+s2+$0x0], $0xffff  }
0x1f0: {  	v57 =	vadd.s32 $0x2670, v19;
	v45 =	vld.idx.msk [tilespmem:v58+s2+$0x0], $0xffff  }
0x1f1: {  	v54 =	vadd.s32 $0x2670, v31;
	v50 =	vld.idx.msk [tilespmem:v59+s2+$0x0], $0xffff  }
0x1f2: {  	v58 =	vadd.s32 $0x2670, v16;
	v48 =	vadd.f32 v60, v48;
	v59 =	vld.idx.msk [tilespmem:v61+s2+$0x0], $0xffff  }
0x1f3: {  	v60 =	vld.idx.msk [tilespmem:v62+s2+$0x0], $0xffff;
	v61 =	vadd.s32 $0x2670, v30  }
0x1f4: {  	v47 =	vld.idx.msk [tilespmem:v63+s2+$0x0], $0xffff;
	v62 =	vadd.s32 $0x2670, v14;
	v46 =	vadd.f32 v46, v48  }
0x1f5: {  	v63 =	vadd.s32 $0x2670, v29;
	v49 =	vld.idx.msk [tilespmem:v57+s2+$0x0], $0xffff;
	v44 =	vadd.f32 v45, v44  }
0x1f6: {  	v54 =	vld.idx.msk [tilespmem:v54+s2+$0x0], $0xffff;
	v57 =	vadd.s32 $0x2670, v17;
	v46 =	vadd.f32 v50, v46  }
0x1f7: {  	v55 =	vld.idx.msk [tilespmem:v58+s2+$0x0], $0xffff;
	v58 =	vadd.s32 $0x2670, v28;
	v44 =	vadd.f32 v59, v44  }
0x1f8: {  	v59 =	vadd.s32 $0x2670, v9;
	v53 =	vld.idx.msk [tilespmem:v61+s2+$0x0], $0xffff;
	v46 =	vadd.f32 v60, v46  }
0x1f9: {  	v48 =	vld.idx.msk [tilespmem:v62+s2+$0x0], $0xffff;
	v60 =	vadd.s32 $0x2670, v33;
	v44 =	vadd.f32 v47, v44  }
0x1fa: {  	v45 =	vld.idx.msk [tilespmem:v63+s2+$0x0], $0xffff;
	v61 =	vadd.s32 $0x2670, v8;
	v46 =	vadd.f32 v49, v46  }
0x1fb: {  	v62 =	vadd.s32 $0x2670, v27;
	v50 =	vld.idx.msk [tilespmem:v57+s2+$0x0], $0xffff;
	v44 =	vadd.f32 v54, v44  }
0x1fc: {  	v51 =	vld.idx.msk [tilespmem:v58+s2+$0x0], $0xffff;
	v46 =	vadd.f32 v55, v46  }
0x1fd: {  	v63 =	vadd.s32 $0x2670, v26;
	v52 =	vld.idx.msk [tilespmem:v59+s2+$0x0], $0xffff;
	v44 =	vadd.f32 v53, v44  }
0x1fe: {  	v47 =	vld.idx.msk [tilespmem:v60+s2+$0x0], $0xffff;
	v46 =	vadd.f32 v48, v46  }
0x1ff: {  	v56 =	vld.idx.msk [tilespmem:v61+s2+$0x0], $0xffff;
	v44 =	vadd.f32 v45, v44  }
0x200: {  	v58 =	vld.idx.msk [tilespmem:v62+s2+$0x0], $0xffff;
	v57 =	vadd.f32 v50, v46  }
0x201: {  	v59 =	vor.u32 $0x5, v20;
	v44 =	vadd.f32 v51, v44  }
0x202: {  	v61 =	vld.idx.msk [tilespmem:v63+s2+$0x0], $0xffff;
	v60 =	vadd.s32 $0x2E20, v18;
	v45 =	vadd.f32 v52, v57  }
0x203: {  	v62 =	vadd.s32 $0x2E20, v24;
	v44 =	vadd.f32 v47, v44  }
0x204: {  	v63 =	vadd.s32 $0x2E20, v22;
	v45 =	vadd.f32 v56, v45;
	v56 =	vor.u32 $0x5, v36  }
0x205: {  	v57 =	vadd.s32 $0x2E20, v25;
	v44 =	vadd.f32 v58, v44  }
0x206: {  	v58 =	vadd.s32 $0x2E20, v35;
	[tilespmem:v59+s10+$0x0] =	vst.idx.msk $0xffff, v45  }
0x207: {  	v59 =	vadd.s32 $0x2E20, v23;
	v49 =	vld.idx.msk [tilespmem:v60+s2+$0x0], $0xffff;
	v44 =	vadd.f32 v61, v44  }
0x208: {  	v60 =	vld.idx.msk [tilespmem:v62+s2+$0x0], $0xffff;
	v61 =	vadd.s32 $0x2E20, v34  }
0x209: {  	v62 =	vadd.s32 $0x2E20, v21;
	v47 =	vld.idx.msk [tilespmem:v63+s2+$0x0], $0xffff;
	[tilespmem:v56+s10+$0x0] =	vst.idx.msk $0xffff, v44  }
0x20a: {  	v63 =	vadd.s32 $0x2E20, v32;
	v44 =	vld.idx.msk [tilespmem:v57+s2+$0x0], $0xffff  }
0x20b: {  	v57 =	vadd.s32 $0x2E20, v19;
	v45 =	vld.idx.msk [tilespmem:v58+s2+$0x0], $0xffff  }
0x20c: {  	v54 =	vadd.s32 $0x2E20, v31;
	v50 =	vld.idx.msk [tilespmem:v59+s2+$0x0], $0xffff  }
0x20d: {  	v58 =	vadd.s32 $0x2E20, v16;
	v49 =	vadd.f32 v60, v49;
	v59 =	vld.idx.msk [tilespmem:v61+s2+$0x0], $0xffff  }
0x20e: {  	v60 =	vld.idx.msk [tilespmem:v62+s2+$0x0], $0xffff;
	v61 =	vadd.s32 $0x2E20, v30  }
0x20f: {  	v62 =	vadd.s32 $0x2E20, v14;
	v46 =	vld.idx.msk [tilespmem:v63+s2+$0x0], $0xffff;
	v47 =	vadd.f32 v47, v49  }
0x210: {  	v63 =	vadd.s32 $0x2E20, v29;
	v48 =	vld.idx.msk [tilespmem:v57+s2+$0x0], $0xffff;
	v44 =	vadd.f32 v45, v44  }
0x211: {  	v54 =	vld.idx.msk [tilespmem:v54+s2+$0x0], $0xffff;
	v57 =	vadd.s32 $0x2E20, v17;
	v47 =	vadd.f32 v50, v47  }
0x212: {  	v55 =	vld.idx.msk [tilespmem:v58+s2+$0x0], $0xffff;
	v58 =	vadd.s32 $0x2E20, v28;
	v44 =	vadd.f32 v59, v44  }
0x213: {  	v59 =	vadd.s32 $0x2E20, v9;
	v53 =	vld.idx.msk [tilespmem:v61+s2+$0x0], $0xffff;
	v47 =	vadd.f32 v60, v47  }
0x214: {  	v49 =	vld.idx.msk [tilespmem:v62+s2+$0x0], $0xffff;
	v60 =	vadd.s32 $0x2E20, v33;
	v44 =	vadd.f32 v46, v44  }
0x215: {  	v61 =	vadd.s32 $0x2E20, v8;
	v45 =	vld.idx.msk [tilespmem:v63+s2+$0x0], $0xffff;
	v47 =	vadd.f32 v48, v47  }
0x216: {  	v62 =	vadd.s32 $0x2E20, v27;
	v50 =	vld.idx.msk [tilespmem:v57+s2+$0x0], $0xffff;
	v44 =	vadd.f32 v54, v44  }
0x217: {  	v51 =	vld.idx.msk [tilespmem:v58+s2+$0x0], $0xffff;
	v47 =	vadd.f32 v55, v47  }
0x218: {  	v63 =	vadd.s32 $0x2E20, v26;
	v52 =	vld.idx.msk [tilespmem:v59+s2+$0x0], $0xffff;
	v44 =	vadd.f32 v53, v44  }
0x219: {  	v46 =	vld.idx.msk [tilespmem:v60+s2+$0x0], $0xffff;
	v47 =	vadd.f32 v49, v47  }
0x21a: {  	v48 =	vld.idx.msk [tilespmem:v61+s2+$0x0], $0xffff;
	v44 =	vadd.f32 v45, v44  }
0x21b: {  	v57 =	vld.idx.msk [tilespmem:v62+s2+$0x0], $0xffff;
	v56 =	vadd.f32 v50, v47  }
0x21c: {  	v58 =	vadd.s32 $0x3D80, v3;
	v59 =	vor.u32 $0x6, v20;
	v44 =	vadd.f32 v51, v44  }
0x21d: {  	v61 =	vld.idx.msk [tilespmem:v63+s2+$0x0], $0xffff;
	v60 =	vadd.s32 $0x35D0, v18;
	v45 =	vadd.f32 v52, v56  }
0x21e: {  	v41 =	vld.idx.msk [tilespmem:v41+s2+$0x0], $0xffff;
	v62 =	vadd.s32 $0x35D0, v24;
	v44 =	vadd.f32 v46, v44  }
0x21f: {  	v42 =	vld.idx.msk [tilespmem:v42+s2+$0x0], $0xffff;
	v63 =	vor.u32 $0x6, v36;
	v46 =	vadd.s32 $0x35D0, v22;
	v45 =	vadd.f32 v48, v45  }
0x220: {  	v43 =	vld.idx.msk [tilespmem:v43+s2+$0x0], $0xffff;
	v44 =	vadd.f32 v57, v44;
	v57 =	vadd.s32 $0x35D0, v25  }
0x221: {  	v49 =	vld.idx.msk [tilespmem:v58+s2+$0x0], $0xffff;
	v58 =	vadd.s32 $0x35D0, v35;
	[tilespmem:v59+s10+$0x0] =	vst.idx.msk $0xffff, v45  }
0x222: {  	v59 =	vadd.s32 $0x35D0, v23;
	v50 =	vld.idx.msk [tilespmem:v60+s2+$0x0], $0xffff;
	v44 =	vadd.f32 v61, v44  }
0x223: {  	v60 =	vld.idx.msk [tilespmem:v62+s2+$0x0], $0xffff;
	v61 =	vadd.s32 $0x35D0, v34  }
0x224: {  	v62 =	vadd.s32 $0x35D0, v21;
	v46 =	vld.idx.msk [tilespmem:v46+s2+$0x0], $0xffff;
	[tilespmem:v63+s10+$0x0] =	vst.idx.msk $0xffff, v44  }
0x225: {  	v47 =	vadd.s32 $0x35D0, v32;
	v44 =	vld.idx.msk [tilespmem:v57+s2+$0x0], $0xffff  }
0x226: {  	v63 =	vadd.s32 $0x35D0, v19;
	v45 =	vld.idx.msk [tilespmem:v58+s2+$0x0], $0xffff  }
0x227: {  	v57 =	vadd.s32 $0x35D0, v31;
	v51 =	vld.idx.msk [tilespmem:v59+s2+$0x0], $0xffff  }
0x228: {  	v58 =	vadd.s32 $0x35D0, v16;
	v50 =	vadd.f32 v60, v50;
	v59 =	vld.idx.msk [tilespmem:v61+s2+$0x0], $0xffff  }
0x229: {  	v39 =	vadd.f32 v39, v40;
	v53 =	vld.idx.msk [tilespmem:v62+s2+$0x0], $0xffff;
	v60 =	vadd.s32 $0x35D0, v30  }
0x22a: {  	v47 =	vld.idx.msk [tilespmem:v47+s2+$0x0], $0xffff;
	v62 =	vadd.s32 $0x35D0, v14;
	v61 =	vadd.f32 v46, v50  }
0x22b: {  	v38 =	vadd.f32 v38, v39;
	v48 =	vld.idx.msk [tilespmem:v63+s2+$0x0], $0xffff;
	v63 =	vadd.s32 $0x35D0, v29;
	v44 =	vadd.f32 v45, v44  }
0x22c: {  	v56 =	vadd.s32 $0x35D0, v17;
	v57 =	vld.idx.msk [tilespmem:v57+s2+$0x0], $0xffff;
	v39 =	vadd.f32 v51, v61  }
0x22d: {  	v37 =	vadd.f32 v37, v38;
	v40 =	vld.idx.msk [tilespmem:v58+s2+$0x0], $0xffff;
	v58 =	vadd.s32 $0x35D0, v28;
	v44 =	vadd.f32 v59, v44  }
0x22e: {  	v59 =	vadd.s32 $0x35D0, v9;
	v60 =	vld.idx.msk [tilespmem:v60+s2+$0x0], $0xffff;
	v39 =	vadd.f32 v53, v39  }
0x22f: {  	v37 =	vadd.f32 v41, v37;
	v61 =	vadd.s32 $0x35D0, v33;
	v46 =	vld.idx.msk [tilespmem:v62+s2+$0x0], $0xffff;
	v44 =	vadd.f32 v47, v44  }
0x230: {  	v62 =	vadd.s32 $0x35D0, v8;
	v45 =	vld.idx.msk [tilespmem:v63+s2+$0x0], $0xffff;
	v39 =	vadd.f32 v48, v39  }
0x231: {  	v37 =	vadd.f32 v42, v37;
	v54 =	vadd.s32 $0x35D0, v27;
	v38 =	vld.idx.msk [tilespmem:v56+s2+$0x0], $0xffff;
	v44 =	vadd.f32 v57, v44  }
0x232: {  	v56 =	vadd.s32 $0x35D0, v26;
	v63 =	vor.u32 $0x8, v1;
	v55 =	vld.idx.msk [tilespmem:v58+s2+$0x0], $0xffff;
	v39 =	vadd.f32 v40, v39  }
0x233: {  	v15 =	vadd.s32 $0x4530, v15;
	v37 =	vadd.f32 v43, v37;
	v41 =	vld.idx.msk [tilespmem:v59+s2+$0x0], $0xffff;
	v44 =	vadd.f32 v60, v44  }
0x234: {  	v13 =	vadd.s32 $0x4530, v13;
	v57 =	vld.idx.msk [tilespmem:v61+s2+$0x0], $0xffff;
	v39 =	vadd.f32 v46, v39  }
0x235: {  	v12 =	vadd.s32 $0x4530, v12;
	v37 =	vadd.f32 v49, v37;
	v42 =	vld.idx.msk [tilespmem:v62+s2+$0x0], $0xffff;
	v44 =	vadd.f32 v45, v44  }
0x236: {  	v11 =	vadd.s32 $0x4530, v11;
	v59 =	vld.idx.msk [tilespmem:v54+s2+$0x0], $0xffff;
	v58 =	vadd.f32 v38, v39  }
0x237: {  	v10 =	vadd.s32 $0x4530, v10;
	v43 =	vld.idx.msk [tilespmem:v56+s2+$0x0], $0xffff;
	v60 =	vor.u32 $0x7, v20;
	[tilespmem:v63+s10+$0x0] =	vst.idx.msk $0xffff, v37;
	v40 =	vadd.f32 v55, v44  }
0x238: {  	v61 =	vadd.s32 $0x3D80, v18;
	v15 =	vld.idx.msk [tilespmem:v15+s2+$0x0], $0xffff;
	v37 =	vadd.f32 v41, v58  }
0x239: {  	v62 =	vadd.s32 $0x3D80, v24;
	v13 =	vld.idx.msk [tilespmem:v13+s2+$0x0], $0xffff;
	v40 =	vadd.f32 v57, v40  }
0x23a: {  	v48 =	vor.u32 $0x7, v36;
	v63 =	vadd.s32 $0x3D80, v22;
	v12 =	vld.idx.msk [tilespmem:v12+s2+$0x0], $0xffff;
	v37 =	vadd.f32 v42, v37  }
0x23b: {  	v49 =	vadd.s32 $0x3D80, v25;
	v11 =	vld.idx.msk [tilespmem:v11+s2+$0x0], $0xffff;
	v38 =	vadd.f32 v59, v40  }
0x23c: {  	v50 =	vadd.s32 $0x3D80, v35;
	v10 =	vld.idx.msk [tilespmem:v10+s2+$0x0], $0xffff;
	[tilespmem:v60+s10+$0x0] =	vst.idx.msk $0xffff, v37  }
0x23d: {  	v51 =	vadd.s32 $0x3D80, v23;
	v39 =	vld.idx.msk [tilespmem:v61+s2+$0x0], $0xffff;
	v38 =	vadd.f32 v43, v38  }
0x23e: {  	v53 =	vadd.s32 $0x3D80, v34;
	v52 =	vld.idx.msk [tilespmem:v62+s2+$0x0], $0xffff  }
0x23f: {  	v54 =	vadd.s32 $0x3D80, v21;
	v42 =	vld.idx.msk [tilespmem:v63+s2+$0x0], $0xffff;
	[tilespmem:v48+s10+$0x0] =	vst.idx.msk $0xffff, v38  }
0x240: {  	v55 =	vadd.s32 $0x3D80, v32;
	v38 =	vld.idx.msk [tilespmem:v49+s2+$0x0], $0xffff  }
0x241: {  	v56 =	vadd.s32 $0x3D80, v19;
	v37 =	vld.idx.msk [tilespmem:v50+s2+$0x0], $0xffff  }
0x242: {  	v57 =	vadd.s32 $0x3D80, v31;
	v41 =	vld.idx.msk [tilespmem:v51+s2+$0x0], $0xffff  }
0x243: {  	v58 =	vadd.s32 $0x3D80, v16;
	v44 =	vld.idx.msk [tilespmem:v53+s2+$0x0], $0xffff  }
0x244: {  	v60 =	vadd.s32 $0x3D80, v30;
	v59 =	vld.idx.msk [tilespmem:v54+s2+$0x0], $0xffff;
	v39 =	vadd.f32 v52, v39  }
0x245: {  	v61 =	vadd.s32 $0x3D80, v14;
	v40 =	vld.idx.msk [tilespmem:v55+s2+$0x0], $0xffff  }
0x246: {  	v62 =	vld.idx.msk [tilespmem:v56+s2+$0x0], $0xffff;
	v63 =	vadd.s32 $0x3D80, v29;
	v39 =	vadd.f32 v42, v39;
	v37 =	vadd.f32 v37, v38  }
0x247: {  	v54 =	vadd.s32 $0x3D80, v28;
	v47 =	vld.idx.msk [tilespmem:v57+s2+$0x0], $0xffff  }
0x248: {  	v53 =	vld.idx.msk [tilespmem:v58+s2+$0x0], $0xffff;
	v52 =	vadd.s32 $0x3D80, v17;
	v39 =	vadd.f32 v41, v39;
	v37 =	vadd.f32 v44, v37  }
0x249: {  	v55 =	vadd.s32 $0x3D80, v9;
	v46 =	vld.idx.msk [tilespmem:v60+s2+$0x0], $0xffff  }
0x24a: {  	v57 =	vadd.s32 $0x3D80, v33;
	v56 =	vld.idx.msk [tilespmem:v61+s2+$0x0], $0xffff;
	v39 =	vadd.f32 v59, v39;
	v37 =	vadd.f32 v40, v37  }
0x24b: {  	v58 =	vadd.s32 $0x3D80, v8;
	v45 =	vld.idx.msk [tilespmem:v63+s2+$0x0], $0xffff  }
0x24c: {  	v60 =	vld.idx.msk [tilespmem:v54+s2+$0x0], $0xffff;
	v59 =	vadd.s32 $0x3D80, v27;
	v39 =	vadd.f32 v62, v39;
	v37 =	vadd.f32 v47, v37  }
0x24d: {  	v2 =	vadd.s32 $0x4530, v2;
	v38 =	vld.idx.msk [tilespmem:v52+s2+$0x0], $0xffff  }
0x24e: {  	v61 =	vld.idx.msk [tilespmem:v55+s2+$0x0], $0xffff;
	v62 =	vadd.s32 $0x3D80, v26;
	v39 =	vadd.f32 v53, v39;
	v37 =	vadd.f32 v46, v37  }
0x24f: {  	v4 =	vadd.s32 $0x4530, v4;
	v63 =	vld.idx.msk [tilespmem:v57+s2+$0x0], $0xffff  }
0x250: {  	v7 =	vadd.s32 $0x4530, v7;
	v40 =	vld.idx.msk [tilespmem:v58+s2+$0x0], $0xffff;
	v39 =	vadd.f32 v56, v39;
	v37 =	vadd.f32 v45, v37  }
0x251: {  	v5 =	vadd.s32 $0x4530, v5;
	v42 =	vld.idx.msk [tilespmem:v59+s2+$0x0], $0xffff  }
0x252: {  	v6 =	vadd.s32 $0x4530, v6;
	v2 =	vld.idx.msk [tilespmem:v2+s2+$0x0], $0xffff;
	v38 =	vadd.f32 v38, v39;
	v37 =	vadd.f32 v60, v37  }
0x253: {  	v3 =	vadd.s32 $0x4530, v3;
	v45 =	vor.u32 $0x8, v20;
	v47 =	vld.idx.msk [tilespmem:v62+s2+$0x0], $0xffff  }
0x254: {  	v4 =	vld.idx.msk [tilespmem:v4+s2+$0x0], $0xffff;
	v48 =	vadd.s32 $0x4530, v18;
	v38 =	vadd.f32 v61, v38;
	v37 =	vadd.f32 v63, v37  }
0x255: {  	v7 =	vld.idx.msk [tilespmem:v7+s2+$0x0], $0xffff;
	v49 =	vadd.s32 $0x4530, v24;
	v50 =	vor.u32 $0x8, v36  }
0x256: {  	v5 =	vld.idx.msk [tilespmem:v5+s2+$0x0], $0xffff;
	v51 =	vadd.s32 $0x4530, v25;
	v38 =	vadd.f32 v40, v38;
	v37 =	vadd.f32 v42, v37  }
0x257: {  	v6 =	vld.idx.msk [tilespmem:v6+s2+$0x0], $0xffff;
	v52 =	vadd.s32 $0x4530, v35  }
0x258: {  	v3 =	vld.idx.msk [tilespmem:v3+s2+$0x0], $0xffff;
	v53 =	vadd.s32 $0x4530, v22;
	[tilespmem:v45+s10+$0x0] =	vst.idx.msk $0xffff, v38;
	v37 =	vadd.f32 v47, v37  }
0x259: {  	v54 =	vadd.s32 $0x4530, v34;
	v18 =	vld.idx.msk [tilespmem:v48+s2+$0x0], $0xffff  }
0x25a: {  	v55 =	vadd.s32 $0x4530, v23;
	v24 =	vld.idx.msk [tilespmem:v49+s2+$0x0], $0xffff;
	[tilespmem:v50+s10+$0x0] =	vst.idx.msk $0xffff, v37  }
0x25b: {  	v56 =	vadd.s32 $0x4530, v32;
	v25 =	vld.idx.msk [tilespmem:v51+s2+$0x0], $0xffff  }
0x25c: {  	v57 =	vadd.s32 $0x4530, v21;
	v35 =	vld.idx.msk [tilespmem:v52+s2+$0x0], $0xffff  }
0x25d: {  	v58 =	vadd.s32 $0x4530, v31;
	v22 =	vld.idx.msk [tilespmem:v53+s2+$0x0], $0xffff  }
0x25e: {  	v59 =	vadd.s32 $0x4530, v19;
	v34 =	vld.idx.msk [tilespmem:v54+s2+$0x0], $0xffff  }
0x25f: {  	v13 =	vadd.f32 v13, v15;
	v61 =	vadd.s32 $0x4530, v30;
	v60 =	vld.idx.msk [tilespmem:v55+s2+$0x0], $0xffff  }
0x260: {  	v62 =	vadd.s32 $0x4530, v16;
	v63 =	vld.idx.msk [tilespmem:v56+s2+$0x0], $0xffff;
	v18 =	vadd.f32 v24, v18  }
0x261: {  	v12 =	vadd.f32 v12, v13;
	v32 =	vadd.s32 $0x4530, v29;
	v30 =	vld.idx.msk [tilespmem:v57+s2+$0x0], $0xffff;
	v25 =	vadd.f32 v35, v25  }
0x262: {  	v37 =	vadd.s32 $0x4530, v14;
	v38 =	vld.idx.msk [tilespmem:v58+s2+$0x0], $0xffff;
	v18 =	vadd.f32 v22, v18  }
0x263: {  	v11 =	vadd.f32 v11, v12;
	v40 =	vadd.s32 $0x4530, v28;
	v39 =	vld.idx.msk [tilespmem:v59+s2+$0x0], $0xffff;
	v25 =	vadd.f32 v34, v25  }
0x264: {  	v41 =	vadd.s32 $0x4530, v17;
	v42 =	vld.idx.msk [tilespmem:v61+s2+$0x0], $0xffff;
	v15 =	vadd.f32 v60, v18  }
0x265: {  	v10 =	vadd.f32 v10, v11;
	v44 =	vadd.s32 $0x4530, v33;
	v43 =	vld.idx.msk [tilespmem:v62+s2+$0x0], $0xffff;
	v45 =	vadd.f32 v63, v25  }
0x266: {  	v46 =	vadd.s32 $0x4530, v9;
	v47 =	vld.idx.msk [tilespmem:v32+s2+$0x0], $0xffff;
	v13 =	vadd.f32 v30, v15  }
0x267: {  	v2 =	vadd.f32 v2, v10;
	v49 =	vadd.s32 $0x4530, v27;
	v48 =	vld.idx.msk [tilespmem:v37+s2+$0x0], $0xffff;
	v50 =	vadd.f32 v38, v45  }
0x268: {  	v51 =	vadd.s32 $0x4530, v8;
	v52 =	vld.idx.msk [tilespmem:v40+s2+$0x0], $0xffff;
	v12 =	vadd.f32 v39, v13  }
0x269: {  	v2 =	vadd.f32 v4, v2;
	v53 =	vld.idx.msk [tilespmem:v41+s2+$0x0], $0xffff;
	v54 =	vadd.s32 $0x4530, v26;
	v18 =	vadd.f32 v42, v50  }
0x26a: {  	v55 =	vld.idx.msk [tilespmem:v44+s2+$0x0], $0xffff;
	v11 =	vadd.f32 v43, v12  }
0x26b: {  	v2 =	vadd.f32 v7, v2;
	v56 =	vld.idx.msk [tilespmem:v46+s2+$0x0], $0xffff;
	v57 =	vadd.f32 v47, v18  }
0x26c: {  	v58 =	vld.idx.msk [tilespmem:v49+s2+$0x0], $0xffff;
	v10 =	vadd.f32 v48, v11  }
0x26d: {  	v2 =	vadd.f32 v5, v2;
	v59 =	vld.idx.msk [tilespmem:v51+s2+$0x0], $0xffff;
	v60 =	vadd.f32 v52, v57  }
0x26e: {  	v1 =	vor.u32 $0x9, v1;
	v61 =	vld.idx.msk [tilespmem:v54+s2+$0x0], $0xffff;
	v4 =	vadd.f32 v53, v10  }
0x26f: {  	v2 =	vadd.f32 v6, v2;
	v62 =	vor.u32 $0x9, v20;
	v8 =	vadd.f32 v55, v60  }
0x270: {  	v63 =	vor.u32 $0x9, v36;
	v4 =	vadd.f32 v56, v4  }
0x271: {  	v2 =	vadd.f32 v3, v2;
	v3 =	vadd.f32 v58, v8  }
0x272: {  	v4 =	vadd.f32 v59, v4  }
0x273: {  	s11 =	sadd.s32 $0x1, s11;
	[tilespmem:v1+s10+$0x0] =	vst.idx.msk $0xffff, v2;
	v1 =	vadd.f32 v61, v3  }
0x274: {  	p0 =	sne.s32 s11, s6;
	[tilespmem:v62+s10+$0x0] =	vst.idx.msk $0xffff, v4  }
.Ltmp1:
0x275: {  	[tilespmem:v63+s10+$0x0] =	vst.idx.msk $0xffff, v1;
	(pc) =	sbr.rel @p0 .LBB2_1-.Ltmp1, $4  }
0x276: {  	[hbm4b:s5+s2] =	stream.linear.scatter [tilespmem:s10], [sflag:$0x1], $0x10000, $0x38;
	[tilespmem:$0x162E0] =	vst v63  }
0x277: {  	_ =	swait.ge [sflag:s8], $0x10000  }
0x278: {  	[sflag:s8] =	ssyncset.done $0x0  }
0x279: {  	[sflag:s8] =	ssyncadd.s32 $0xFFFF0000  }
0x27a: {  	_ =	sfence.sel $0x180000  }
0x27b: {  	[bflag:$0x0] =	sbarrier.arrive $0xFFFF  }
0x27c: {  	p0 =	sne.s32 s1, $0x0;
	_ =	strace $0x90000047  }
0x27d: {  	s0 =	sadd.s32 @!p0 $0x100000, s0;
	[bflag:$0x2] =	sbarrier.arrive $0xFFFF  }
0x27e: {  	[sflag:s0] =	ssyncadd.tile.s32 @!p0 $0x1;
	_ =	shalt  }
.Lfunc_end2:
_tile_overlayer_lowered:
.L_overlay_start_2:
0x27f: {  	(tag) =	ssettag $0x2  }
0x280: {  	s0 =	rddreg [dreg:$0x0];
	s2 =	stileid.u32  }
0x281: {  	s1 =	rddreg [dreg:$0x1];
	p0 =	sne.s32 s2, $0x0  }
0x282: {  	s3 =	rddreg [dreg:$0x2];
	[bflag:$0x3] =	sbarrier.arrive $0xFFFF;
	s2 =	simm.s32 @!p0 $0x1C03  }
0x283: {  	[timem:s3], [sflag:s2] =	dma.local @!p0 [hbm:s0], s1  }
0x284: {  	s0 =	simm.s32 @!p0 $0x3  }
0x285: {  	_ =	swait.ge @!p0 [sflag:s0], s1  }
0x286: {  	s1 =	ssub.s32 @!p0 $0x0, s1;
	[sflag:s0] =	ssyncset.done @!p0 $0x0  }
0x287: {  	[sflag:s0] =	ssyncadd.s32 @!p0 s1  }
0x288: {  	[bflag:$0x3] =	sbarrier.arrive $0xFFFF  }
0x289: {  	_ =	shalt  }

</sc_bundles>
